<compile_context>
chip_gen: v7x
topology: tpu7x:2x2x1
jax: 0.10.2.dev20260603
libtpu: 0.0.44.dev20260713+nightly
codegen_flags: <defaults>
</compile_context>

<pallas_src>
import functools

import jax
import jax.numpy as jnp
from jax import lax
from jax.experimental import pallas as pl
from jax.experimental.pallas import tpu as pltpu
from jax.experimental.pallas import tpu_sc as plsc

VOCAB_SIZE = 50257
EMBED = 768
BATCH = 4
SEQ = 2048
NTOK = BATCH * SEQ

NUM_CORES = 2
NUM_SUBCORES = 16
NUM_WORKERS = NUM_CORES * NUM_SUBCORES
LANES = 16

POS_BLK = SEQ // NUM_WORKERS
COLS = EMBED // LANES

_mesh = plsc.VectorSubcoreMesh(core_axis_name="c", subcore_axis_name="s")


@functools.partial(
    pl.kernel,
    mesh=_mesh,
    out_type=jax.ShapeDtypeStruct((NTOK, EMBED), jnp.float32),
    scratch_types=[
        pltpu.VMEM((BATCH * POS_BLK,), jnp.int32),
        pltpu.VMEM((POS_BLK, EMBED), jnp.float32),
        pltpu.VMEM((POS_BLK, EMBED), jnp.float32),
        pltpu.SemaphoreType.DMA,
        pltpu.SemaphoreType.DMA,
        pltpu.SemaphoreType.DMA,
        pltpu.SemaphoreType.DMA,
    ],
)
def _embed_sc(x_hbm, tok_hbm, pos_hbm, out_hbm,
              idx_v, tok_v, pos_v, isem, psem, gsem, osem):
    wid = lax.axis_index("s") * NUM_CORES + lax.axis_index("c")
    pbase = wid * POS_BLK

    h_pos = pltpu.async_copy(pos_hbm.at[pl.ds(pbase, POS_BLK)], pos_v, psem)
    h_idx = [
        pltpu.async_copy(x_hbm.at[pl.ds(b * SEQ + pbase, POS_BLK)],
                         idx_v.at[pl.ds(b * POS_BLK, POS_BLK)], isem)
        for b in range(BATCH)
    ]
    for h in h_idx:
        h.wait()

    h_pos.wait()

    def _batch(b, carry):
        tbase = b * SEQ + pbase

        @pl.when(b > 0)
        def _():
            pltpu.make_async_copy(
                tok_v, out_hbm.at[pl.ds(tbase, POS_BLK)], osem).wait()

        pltpu.async_copy(
            tok_hbm.at[idx_v.at[pl.ds(b * POS_BLK, POS_BLK)]], tok_v,
            gsem).wait()

        def _row(r, carry2):
            for c in range(COLS):
                sl = pl.ds(c * LANES, LANES)
                tok_v[r, sl] = tok_v[r, sl] + pos_v[r, sl]
            return carry2

        lax.fori_loop(0, POS_BLK, _row, 0)
        pltpu.async_copy(tok_v, out_hbm.at[pl.ds(tbase, POS_BLK)], osem)
        return carry

    lax.fori_loop(0, BATCH, _batch, 0)
    pltpu.make_async_copy(tok_v, out_hbm.at[pl.ds(pbase, POS_BLK)],
                          osem).wait()


@jax.jit
def kernel(x, tok_table, pos_table):
    out = _embed_sc(x.reshape(-1), tok_table, pos_table)
    return out.reshape(BATCH, SEQ, EMBED)

# --- scband reference (transcript-rebuilt; emitter-appended) ---
"""Pipeline reference for scband-gpt2-embedding-7748121002571 (READ-ONLY COPY).

The authoritative reference and input builder live on the scoring server;
editing this copy changes nothing except your own understanding.
"""

import jax, jax.numpy as jnp
import numpy as np

VOCAB_SIZE = 50257
MAX_LENGTH = 2048
EMBED_DIM = 768
BATCH = 4
SEQ = 2048


def setup_inputs(seed: int = 0) -> dict:
    key = jax.random.key(seed)
    k1, k2, k3 = jax.random.split(key, 3)
    x = jax.random.randint(k1, (BATCH, SEQ), 0, VOCAB_SIZE, dtype=jnp.int32)
    tok_table = jax.random.normal(k2, (VOCAB_SIZE, EMBED_DIM), dtype=jnp.float32) * 0.02
    pos_table = jax.random.normal(k3, (MAX_LENGTH, EMBED_DIM), dtype=jnp.float32) * 0.02
    return {"x": x, "tok_table": tok_table, "pos_table": pos_table}


def reference(x, tok_table, pos_table):
    # GPT2Embedding.forward: tok_embed(x) + pos_embed(arange(seq)) ; dropout in eval mode = identity
    seq = x.shape[1]
    x_pos = jnp.arange(seq)[None, :]
    tok = jnp.take(tok_table, x, axis=0)
    pos = jnp.take(pos_table, x_pos, axis=0)
    out = tok + pos
    return out

if __name__ == "__main__":
    import jax
    _d = setup_inputs()
    print(jax.jit(kernel)(*tuple(_d.values())))

</pallas_src>

<mosaic_0001>
#map = affine_map<(d0, d1) -> (0)>
#map1 = affine_map<(d0, d1) -> (0, 0)>
module attributes {stable_mosaic.version = 14 : i64} {
  func.func @_embed_sc(%arg0: i32, %arg1: i32, %arg2: memref<8192xi32, #tpu.memory_space<hbm>>, %arg3: memref<50257x768xf32, #tpu.memory_space<hbm>>, %arg4: memref<2048x768xf32, #tpu.memory_space<hbm>>, %arg5: memref<8192x768xf32, #tpu.memory_space<hbm>>, %arg6: memref<256xi32, #tpu.memory_space<vmem>>, %arg7: memref<64x768xf32, #tpu.memory_space<vmem>>, %arg8: memref<64x768xf32, #tpu.memory_space<vmem>>, %arg9: memref<!tpu.dma_semaphore, #tpu.memory_space<semaphore_mem>>, %arg10: memref<!tpu.dma_semaphore, #tpu.memory_space<semaphore_mem>>, %arg11: memref<!tpu.dma_semaphore, #tpu.memory_space<semaphore_mem>>, %arg12: memref<!tpu.dma_semaphore, #tpu.memory_space<semaphore_mem>>) attributes {dimension_semantics = [#tpu.dimension_semantics<core_parallel>, #tpu.dimension_semantics<subcore_parallel>], iteration_bounds = array<i64: 2, 16>, scalar_prefetch = 0 : i64, scratch_operands = 7 : i64, tpu.core_type = #tpu.core_type<sc_vector_subcore>, window_params = [{transform_indices = #map}, {transform_indices = #map1}, {transform_indices = #map1}, {transform_indices = #map1}]} {
    %mul3A = arith.constant 2 : i32
    %mul3A_0 = arith.muli %arg1, %mul3A : i32
    %add3A = arith.addi %mul3A_0, %arg0 : i32
    %mul3A_1 = arith.constant 64 : i32
    %mul3A_2 = arith.muli %add3A, %mul3A_1 : i32
    %dma_start3A = arith.constant 0 : i32
    %dma_start3A_3 = tpu.memref_slice %arg4[%mul3A_2, %dma_start3A] : memref<2048x768xf32, #tpu.memory_space<hbm>> -> memref<64x768xf32, #tpu.memory_space<hbm>>
    %dma_start3A_4 = arith.constant 0 : i32
    %dma_start3A_5 = tpu.memref_slice %arg4[%mul3A_2, %dma_start3A_4] : memref<2048x768xf32, #tpu.memory_space<hbm>> -> memref<64x768xf32, #tpu.memory_space<hbm>>
    tpu.enqueue_dma source(%dma_start3A_5 : memref<64x768xf32, #tpu.memory_space<hbm>>) target(%arg8 : memref<64x768xf32, #tpu.memory_space<vmem>>) target_semaphore(%arg10 : memref<!tpu.dma_semaphore, #tpu.memory_space<semaphore_mem>>)
    %add3A_6 = arith.constant 0 : i32
    %add3A_7 = arith.addi %add3A_6, %mul3A_2 : i32
    %dma_start3A_8 = arith.constant 0 : i32
    %dma_start3A_9 = tpu.memref_slice %arg6[%dma_start3A_8] : memref<256xi32, #tpu.memory_space<vmem>> -> memref<64xi32, #tpu.memory_space<vmem>>
    %dma_start3A_10 = tpu.memref_slice %arg2[%add3A_7] : memref<8192xi32, #tpu.memory_space<hbm>> -> memref<64xi32, #tpu.memory_space<hbm>>
    %dma_start3A_11 = arith.constant 0 : i32
    %dma_start3A_12 = tpu.memref_slice %arg6[%dma_start3A_11] : memref<256xi32, #tpu.memory_space<vmem>> -> memref<64xi32, #tpu.memory_space<vmem>>
    %dma_start3A_13 = tpu.memref_slice %arg2[%add3A_7] : memref<8192xi32, #tpu.memory_space<hbm>> -> memref<64xi32, #tpu.memory_space<hbm>>
    tpu.enqueue_dma source(%dma_start3A_13 : memref<64xi32, #tpu.memory_space<hbm>>) target(%dma_start3A_12 : memref<64xi32, #tpu.memory_space<vmem>>) target_semaphore(%arg9 : memref<!tpu.dma_semaphore, #tpu.memory_space<semaphore_mem>>)
    %add3A_14 = arith.constant 2048 : i32
    %add3A_15 = arith.addi %add3A_14, %mul3A_2 : i32
    %dma_start3A_16 = arith.constant 64 : i32
    %dma_start3A_17 = tpu.memref_slice %arg6[%dma_start3A_16] : memref<256xi32, #tpu.memory_space<vmem>> -> memref<64xi32, #tpu.memory_space<vmem>>
    %dma_start3A_18 = tpu.memref_slice %arg2[%add3A_15] : memref<8192xi32, #tpu.memory_space<hbm>> -> memref<64xi32, #tpu.memory_space<hbm>>
    %dma_start3A_19 = arith.constant 64 : i32
    %dma_start3A_20 = tpu.memref_slice %arg6[%dma_start3A_19] : memref<256xi32, #tpu.memory_space<vmem>> -> memref<64xi32, #tpu.memory_space<vmem>>
    %dma_start3A_21 = tpu.memref_slice %arg2[%add3A_15] : memref<8192xi32, #tpu.memory_space<hbm>> -> memref<64xi32, #tpu.memory_space<hbm>>
    tpu.enqueue_dma source(%dma_start3A_21 : memref<64xi32, #tpu.memory_space<hbm>>) target(%dma_start3A_20 : memref<64xi32, #tpu.memory_space<vmem>>) target_semaphore(%arg9 : memref<!tpu.dma_semaphore, #tpu.memory_space<semaphore_mem>>)
    %add3A_22 = arith.constant 4096 : i32
    %add3A_23 = arith.addi %add3A_22, %mul3A_2 : i32
    %dma_start3A_24 = arith.constant 128 : i32
    %dma_start3A_25 = tpu.memref_slice %arg6[%dma_start3A_24] : memref<256xi32, #tpu.memory_space<vmem>> -> memref<64xi32, #tpu.memory_space<vmem>>
    %dma_start3A_26 = tpu.memref_slice %arg2[%add3A_23] : memref<8192xi32, #tpu.memory_space<hbm>> -> memref<64xi32, #tpu.memory_space<hbm>>
    %dma_start3A_27 = arith.constant 128 : i32
    %dma_start3A_28 = tpu.memref_slice %arg6[%dma_start3A_27] : memref<256xi32, #tpu.memory_space<vmem>> -> memref<64xi32, #tpu.memory_space<vmem>>
    %dma_start3A_29 = tpu.memref_slice %arg2[%add3A_23] : memref<8192xi32, #tpu.memory_space<hbm>> -> memref<64xi32, #tpu.memory_space<hbm>>
    tpu.enqueue_dma source(%dma_start3A_29 : memref<64xi32, #tpu.memory_space<hbm>>) target(%dma_start3A_28 : memref<64xi32, #tpu.memory_space<vmem>>) target_semaphore(%arg9 : memref<!tpu.dma_semaphore, #tpu.memory_space<semaphore_mem>>)
    %add3A_30 = arith.constant 6144 : i32
    %add3A_31 = arith.addi %add3A_30, %mul3A_2 : i32
    %dma_start3A_32 = arith.constant 192 : i32
    %dma_start3A_33 = tpu.memref_slice %arg6[%dma_start3A_32] : memref<256xi32, #tpu.memory_space<vmem>> -> memref<64xi32, #tpu.memory_space<vmem>>
    %dma_start3A_34 = tpu.memref_slice %arg2[%add3A_31] : memref<8192xi32, #tpu.memory_space<hbm>> -> memref<64xi32, #tpu.memory_space<hbm>>
    %dma_start3A_35 = arith.constant 192 : i32
    %dma_start3A_36 = tpu.memref_slice %arg6[%dma_start3A_35] : memref<256xi32, #tpu.memory_space<vmem>> -> memref<64xi32, #tpu.memory_space<vmem>>
    %dma_start3A_37 = tpu.memref_slice %arg2[%add3A_31] : memref<8192xi32, #tpu.memory_space<hbm>> -> memref<64xi32, #tpu.memory_space<hbm>>
    tpu.enqueue_dma source(%dma_start3A_37 : memref<64xi32, #tpu.memory_space<hbm>>) target(%dma_start3A_36 : memref<64xi32, #tpu.memory_space<vmem>>) target_semaphore(%arg9 : memref<!tpu.dma_semaphore, #tpu.memory_space<semaphore_mem>>)
    %dma_wait3A = arith.constant 0 : i32
    %dma_wait3A_38 = tpu.memref_slice %arg6[%dma_wait3A] : memref<256xi32, #tpu.memory_space<vmem>> -> memref<64xi32, #tpu.memory_space<vmem>>
    %dma_wait3A_39 = tpu.memref_slice %arg2[%add3A_7] : memref<8192xi32, #tpu.memory_space<hbm>> -> memref<64xi32, #tpu.memory_space<hbm>>
    %dma_wait3A_40 = arith.constant 0 : i32
    %dma_wait3A_41 = tpu.memref_slice %arg6[%dma_wait3A_40] : memref<256xi32, #tpu.memory_space<vmem>> -> memref<64xi32, #tpu.memory_space<vmem>>
    %dma_wait3A_42 = tpu.memref_slice %arg2[%add3A_7] : memref<8192xi32, #tpu.memory_space<hbm>> -> memref<64xi32, #tpu.memory_space<hbm>>
    tpu.wait_dma2 semaphore(%arg9 : memref<!tpu.dma_semaphore, #tpu.memory_space<semaphore_mem>>) src(%dma_wait3A_42 : memref<64xi32, #tpu.memory_space<hbm>>) dst(%dma_wait3A_41 : memref<64xi32, #tpu.memory_space<vmem>>)
    %dma_wait3A_43 = arith.constant 64 : i32
    %dma_wait3A_44 = tpu.memref_slice %arg6[%dma_wait3A_43] : memref<256xi32, #tpu.memory_space<vmem>> -> memref<64xi32, #tpu.memory_space<vmem>>
    %dma_wait3A_45 = tpu.memref_slice %arg2[%add3A_15] : memref<8192xi32, #tpu.memory_space<hbm>> -> memref<64xi32, #tpu.memory_space<hbm>>
    %dma_wait3A_46 = arith.constant 64 : i32
    %dma_wait3A_47 = tpu.memref_slice %arg6[%dma_wait3A_46] : memref<256xi32, #tpu.memory_space<vmem>> -> memref<64xi32, #tpu.memory_space<vmem>>
    %dma_wait3A_48 = tpu.memref_slice %arg2[%add3A_15] : memref<8192xi32, #tpu.memory_space<hbm>> -> memref<64xi32, #tpu.memory_space<hbm>>
    tpu.wait_dma2 semaphore(%arg9 : memref<!tpu.dma_semaphore, #tpu.memory_space<semaphore_mem>>) src(%dma_wait3A_48 : memref<64xi32, #tpu.memory_space<hbm>>) dst(%dma_wait3A_47 : memref<64xi32, #tpu.memory_space<vmem>>)
    %dma_wait3A_49 = arith.constant 128 : i32
    %dma_wait3A_50 = tpu.memref_slice %arg6[%dma_wait3A_49] : memref<256xi32, #tpu.memory_space<vmem>> -> memref<64xi32, #tpu.memory_space<vmem>>
    %dma_wait3A_51 = tpu.memref_slice %arg2[%add3A_23] : memref<8192xi32, #tpu.memory_space<hbm>> -> memref<64xi32, #tpu.memory_space<hbm>>
    %dma_wait3A_52 = arith.constant 128 : i32
    %dma_wait3A_53 = tpu.memref_slice %arg6[%dma_wait3A_52] : memref<256xi32, #tpu.memory_space<vmem>> -> memref<64xi32, #tpu.memory_space<vmem>>
    %dma_wait3A_54 = tpu.memref_slice %arg2[%add3A_23] : memref<8192xi32, #tpu.memory_space<hbm>> -> memref<64xi32, #tpu.memory_space<hbm>>
    tpu.wait_dma2 semaphore(%arg9 : memref<!tpu.dma_semaphore, #tpu.memory_space<semaphore_mem>>) src(%dma_wait3A_54 : memref<64xi32, #tpu.memory_space<hbm>>) dst(%dma_wait3A_53 : memref<64xi32, #tpu.memory_space<vmem>>)
    %dma_wait3A_55 = arith.constant 192 : i32
    %dma_wait3A_56 = tpu.memref_slice %arg6[%dma_wait3A_55] : memref<256xi32, #tpu.memory_space<vmem>> -> memref<64xi32, #tpu.memory_space<vmem>>
    %dma_wait3A_57 = tpu.memref_slice %arg2[%add3A_31] : memref<8192xi32, #tpu.memory_space<hbm>> -> memref<64xi32, #tpu.memory_space<hbm>>
    %dma_wait3A_58 = arith.constant 192 : i32
    %dma_wait3A_59 = tpu.memref_slice %arg6[%dma_wait3A_58] : memref<256xi32, #tpu.memory_space<vmem>> -> memref<64xi32, #tpu.memory_space<vmem>>
    %dma_wait3A_60 = tpu.memref_slice %arg2[%add3A_31] : memref<8192xi32, #tpu.memory_space<hbm>> -> memref<64xi32, #tpu.memory_space<hbm>>
    tpu.wait_dma2 semaphore(%arg9 : memref<!tpu.dma_semaphore, #tpu.memory_space<semaphore_mem>>) src(%dma_wait3A_60 : memref<64xi32, #tpu.memory_space<hbm>>) dst(%dma_wait3A_59 : memref<64xi32, #tpu.memory_space<vmem>>)
    %dma_wait3A_61 = arith.constant 0 : i32
    %dma_wait3A_62 = tpu.memref_slice %arg4[%mul3A_2, %dma_wait3A_61] : memref<2048x768xf32, #tpu.memory_space<hbm>> -> memref<64x768xf32, #tpu.memory_space<hbm>>
    %dma_wait3A_63 = arith.constant 0 : i32
    %dma_wait3A_64 = tpu.memref_slice %arg4[%mul3A_2, %dma_wait3A_63] : memref<2048x768xf32, #tpu.memory_space<hbm>> -> memref<64x768xf32, #tpu.memory_space<hbm>>
    tpu.wait_dma2 semaphore(%arg10 : memref<!tpu.dma_semaphore, #tpu.memory_space<semaphore_mem>>) src(%dma_wait3A_64 : memref<64x768xf32, #tpu.memory_space<hbm>>) dst(%arg8 : memref<64x768xf32, #tpu.memory_space<vmem>>)
    %scan3A = arith.constant 0 : i32
    %scan3A_65 = arith.constant 0 : i32
    %scan3A_66 = arith.constant 4 : i32
    %scan3A_67 = arith.addi %scan3A_65, %scan3A_66 : i32
    %scan3A_68 = arith.constant 1 : i32
    scf.for %scan3A_74 = %scan3A_65 to %scan3A_67 step %scan3A_68  : i32 {
      %mul3A_75 = arith.constant 2048 : i32
      %mul3A_76 = arith.muli %scan3A_74, %mul3A_75 : i32
      %add3A_77 = arith.addi %mul3A_76, %mul3A_2 : i32
      %gt3A = arith.constant 0 : i32
      %gt3A_78 = arith.cmpi sgt, %scan3A_74, %gt3A : i32
      %convert_element_type3A = arith.extui %gt3A_78 : i1 to i32
      %cond3A = arith.constant 0 : i32
      %cond3A_79 = arith.cmpi ne, %convert_element_type3A, %cond3A : i32
      scf.if %cond3A_79 {
        %dma_wait3A_100 = arith.constant 0 : i32
        %dma_wait3A_101 = tpu.memref_slice %arg5[%add3A_77, %dma_wait3A_100] : memref<8192x768xf32, #tpu.memory_space<hbm>> -> memref<64x768xf32, #tpu.memory_space<hbm>>
        %dma_wait3A_102 = arith.constant 0 : i32
        %dma_wait3A_103 = tpu.memref_slice %arg5[%add3A_77, %dma_wait3A_102] : memref<8192x768xf32, #tpu.memory_space<hbm>> -> memref<64x768xf32, #tpu.memory_space<hbm>>
        tpu.wait_dma2 semaphore(%arg12 : memref<!tpu.dma_semaphore, #tpu.memory_space<semaphore_mem>>) src(%arg7 : memref<64x768xf32, #tpu.memory_space<vmem>>) dst(%dma_wait3A_103 : memref<64x768xf32, #tpu.memory_space<hbm>>)
      } else {
      }
      %mul3A_80 = arith.constant 64 : i32
      %mul3A_81 = arith.muli %scan3A_74, %mul3A_80 : i32
      %dma_start3A_82 = tpu.memref_slice %arg6[%mul3A_81] : memref<256xi32, #tpu.memory_space<vmem>> -> memref<64xi32, #tpu.memory_space<vmem>>
      %dma_start3A_83 = arith.constant 0 : i32
      %dma_start3A_84 = arith.constant 0 : i32
      %dma_start3A_85 = tpu.memref_slice %arg3[%dma_start3A_83, %dma_start3A_84] : memref<50257x768xf32, #tpu.memory_space<hbm>> -> memref<50257x768xf32, #tpu.memory_space<hbm>>
      tpu.enqueue_indirect_dma source(%dma_start3A_85 : memref<50257x768xf32, #tpu.memory_space<hbm>>) target(%arg7 : memref<64x768xf32, #tpu.memory_space<vmem>>) offsets(%dma_start3A_82 : memref<64xi32, #tpu.memory_space<vmem>>) semaphore(%arg11 : memref<!tpu.dma_semaphore, #tpu.memory_space<semaphore_mem>>)
      %dma_wait3A_86 = tpu.memref_slice %arg6[%mul3A_81] : memref<256xi32, #tpu.memory_space<vmem>> -> memref<64xi32, #tpu.memory_space<vmem>>
      %dma_wait3A_87 = arith.constant 0 : i32
      %dma_wait3A_88 = arith.constant 0 : i32
      %dma_wait3A_89 = tpu.memref_slice %arg3[%dma_wait3A_87, %dma_wait3A_88] : memref<50257x768xf32, #tpu.memory_space<hbm>> -> memref<50257x768xf32, #tpu.memory_space<hbm>>
      tpu.wait_indirect_dma semaphore(%arg11 : memref<!tpu.dma_semaphore, #tpu.memory_space<semaphore_mem>>) src(%dma_wait3A_89 : memref<50257x768xf32, #tpu.memory_space<hbm>>) dst(%arg7 : memref<64x768xf32, #tpu.memory_space<vmem>>)
      %scan3A_90 = arith.constant 0 : i32
      %scan3A_91 = arith.constant 0 : i32
      %scan3A_92 = arith.constant 64 : i32
      %scan3A_93 = arith.addi %scan3A_91, %scan3A_92 : i32
      %scan3A_94 = arith.constant 1 : i32
      scf.for %scan3A_100 = %scan3A_91 to %scan3A_93 step %scan3A_94  : i32 {
        %get3A = arith.index_cast %scan3A_100 : i32 to index
        %get3A_101 = arith.constant 0 : index
        %get3A_102 = tpu.vector_load %arg7[%get3A, %get3A_101] {strides = array<i32>} : memref<64x768xf32, #tpu.memory_space<vmem>>, vector<1x16xf32>,
        %get3A_103 = vector.shape_cast %get3A_102 : vector<1x16xf32> to vector<16xf32>
        %get3A_104 = arith.index_cast %scan3A_100 : i32 to index
        %get3A_105 = arith.constant 0 : index
        %get3A_106 = tpu.vector_load %arg8[%get3A_104, %get3A_105] {strides = array<i32>} : memref<64x768xf32, #tpu.memory_space<vmem>>, vector<1x16xf32>,
        %get3A_107 = vector.shape_cast %get3A_106 : vector<1x16xf32> to vector<16xf32>
        %add3A_108 = arith.addf %get3A_103, %get3A_107 : vector<16xf32>
        %swap3A = arith.index_cast %scan3A_100 : i32 to index
        %swap3A_109 = arith.constant 0 : index
        %swap3A_110 = tpu.vector_load %arg7[%swap3A, %swap3A_109] {strides = array<i32>} : memref<64x768xf32, #tpu.memory_space<vmem>>, vector<1x16xf32>,
        %swap3A_111 = vector.shape_cast %swap3A_110 : vector<1x16xf32> to vector<16xf32>
        %swap3A_112 = vector.shape_cast %add3A_108 : vector<16xf32> to vector<1x16xf32>
        tpu.vector_store %arg7[%swap3A, %swap3A_109], %swap3A_112 {strides = array<i32>} : memref<64x768xf32, #tpu.memory_space<vmem>>, vector<1x16xf32>,
        %get3A_113 = arith.index_cast %scan3A_100 : i32 to index
        %get3A_114 = arith.constant 16 : index
        %get3A_115 = tpu.vector_load %arg7[%get3A_113, %get3A_114] {strides = array<i32>} : memref<64x768xf32, #tpu.memory_space<vmem>>, vector<1x16xf32>,
        %get3A_116 = vector.shape_cast %get3A_115 : vector<1x16xf32> to vector<16xf32>
        %get3A_117 = arith.index_cast %scan3A_100 : i32 to index
        %get3A_118 = arith.constant 16 : index
        %get3A_119 = tpu.vector_load %arg8[%get3A_117, %get3A_118] {strides = array<i32>} : memref<64x768xf32, #tpu.memory_space<vmem>>, vector<1x16xf32>,
        %get3A_120 = vector.shape_cast %get3A_119 : vector<1x16xf32> to vector<16xf32>
        %add3A_121 = arith.addf %get3A_116, %get3A_120 : vector<16xf32>
        %swap3A_122 = arith.index_cast %scan3A_100 : i32 to index
        %swap3A_123 = arith.constant 16 : index
        %swap3A_124 = tpu.vector_load %arg7[%swap3A_122, %swap3A_123] {strides = array<i32>} : memref<64x768xf32, #tpu.memory_space<vmem>>, vector<1x16xf32>,
        %swap3A_125 = vector.shape_cast %swap3A_124 : vector<1x16xf32> to vector<16xf32>
        %swap3A_126 = vector.shape_cast %add3A_121 : vector<16xf32> to vector<1x16xf32>
        tpu.vector_store %arg7[%swap3A_122, %swap3A_123], %swap3A_126 {strides = array<i32>} : memref<64x768xf32, #tpu.memory_space<vmem>>, vector<1x16xf32>,
        %get3A_127 = arith.index_cast %scan3A_100 : i32 to index
        %get3A_128 = arith.constant 32 : index
        %get3A_129 = tpu.vector_load %arg7[%get3A_127, %get3A_128] {strides = array<i32>} : memref<64x768xf32, #tpu.memory_space<vmem>>, vector<1x16xf32>,
        %get3A_130 = vector.shape_cast %get3A_129 : vector<1x16xf32> to vector<16xf32>
        %get3A_131 = arith.index_cast %scan3A_100 : i32 to index
        %get3A_132 = arith.constant 32 : index
        %get3A_133 = tpu.vector_load %arg8[%get3A_131, %get3A_132] {strides = array<i32>} : memref<64x768xf32, #tpu.memory_space<vmem>>, vector<1x16xf32>,
        %get3A_134 = vector.shape_cast %get3A_133 : vector<1x16xf32> to vector<16xf32>
        %add3A_135 = arith.addf %get3A_130, %get3A_134 : vector<16xf32>
        %swap3A_136 = arith.index_cast %scan3A_100 : i32 to index
        %swap3A_137 = arith.constant 32 : index
        %swap3A_138 = tpu.vector_load %arg7[%swap3A_136, %swap3A_137] {strides = array<i32>} : memref<64x768xf32, #tpu.memory_space<vmem>>, vector<1x16xf32>,
        %swap3A_139 = vector.shape_cast %swap3A_138 : vector<1x16xf32> to vector<16xf32>
        %swap3A_140 = vector.shape_cast %add3A_135 : vector<16xf32> to vector<1x16xf32>
        tpu.vector_store %arg7[%swap3A_136, %swap3A_137], %swap3A_140 {strides = array<i32>} : memref<64x768xf32, #tpu.memory_space<vmem>>, vector<1x16xf32>,
        %get3A_141 = arith.index_cast %scan3A_100 : i32 to index
        %get3A_142 = arith.constant 48 : index
        %get3A_143 = tpu.vector_load %arg7[%get3A_141, %get3A_142] {strides = array<i32>} : memref<64x768xf32, #tpu.memory_space<vmem>>, vector<1x16xf32>,
        %get3A_144 = vector.shape_cast %get3A_143 : vector<1x16xf32> to vector<16xf32>
        %get3A_145 = arith.index_cast %scan3A_100 : i32 to index
        %get3A_146 = arith.constant 48 : index
        %get3A_147 = tpu.vector_load %arg8[%get3A_145, %get3A_146] {strides = array<i32>} : memref<64x768xf32, #tpu.memory_space<vmem>>, vector<1x16xf32>,
        %get3A_148 = vector.shape_cast %get3A_147 : vector<1x16xf32> to vector<16xf32>
        %add3A_149 = arith.addf %get3A_144, %get3A_148 : vector<16xf32>
        %swap3A_150 = arith.index_cast %scan3A_100 : i32 to index
        %swap3A_151 = arith.constant 48 : index
        %swap3A_152 = tpu.vector_load %arg7[%swap3A_150, %swap3A_151] {strides = array<i32>} : memref<64x768xf32, #tpu.memory_space<vmem>>, vector<1x16xf32>,
        %swap3A_153 = vector.shape_cast %swap3A_152 : vector<1x16xf32> to vector<16xf32>
        %swap3A_154 = vector.shape_cast %add3A_149 : vector<16xf32> to vector<1x16xf32>
        tpu.vector_store %arg7[%swap3A_150, %swap3A_151], %swap3A_154 {strides = array<i32>} : memref<64x768xf32, #tpu.memory_space<vmem>>, vector<1x16xf32>,
        %get3A_155 = arith.index_cast %scan3A_100 : i32 to index
        %get3A_156 = arith.constant 64 : index
        %get3A_157 = tpu.vector_load %arg7[%get3A_155, %get3A_156] {strides = array<i32>} : memref<64x768xf32, #tpu.memory_space<vmem>>, vector<1x16xf32>,
        %get3A_158 = vector.shape_cast %get3A_157 : vector<1x16xf32> to vector<16xf32>
        %get3A_159 = arith.index_cast %scan3A_100 : i32 to index
        %get3A_160 = arith.constant 64 : index
        %get3A_161 = tpu.vector_load %arg8[%get3A_159, %get3A_160] {strides = array<i32>} : memref<64x768xf32, #tpu.memory_space<vmem>>, vector<1x16xf32>,
        %get3A_162 = vector.shape_cast %get3A_161 : vector<1x16xf32> to vector<16xf32>
        %add3A_163 = arith.addf %get3A_158, %get3A_162 : vector<16xf32>
        %swap3A_164 = arith.index_cast %scan3A_100 : i32 to index
        %swap3A_165 = arith.constant 64 : index
        %swap3A_166 = tpu.vector_load %arg7[%swap3A_164, %swap3A_165] {strides = array<i32>} : memref<64x768xf32, #tpu.memory_space<vmem>>, vector<1x16xf32>,
        %swap3A_167 = vector.shape_cast %swap3A_166 : vector<1x16xf32> to vector<16xf32>
        %swap3A_168 = vector.shape_cast %add3A_163 : vector<16xf32> to vector<1x16xf32>
        tpu.vector_store %arg7[%swap3A_164, %swap3A_165], %swap3A_168 {strides = array<i32>} : memref<64x768xf32, #tpu.memory_space<vmem>>, vector<1x16xf32>,
        %get3A_169 = arith.index_cast %scan3A_100 : i32 to index
        %get3A_170 = arith.constant 80 : index
        %get3A_171 = tpu.vector_load %arg7[%get3A_169, %get3A_170] {strides = array<i32>} : memref<64x768xf32, #tpu.memory_space<vmem>>, vector<1x16xf32>,
        %get3A_172 = vector.shape_cast %get3A_171 : vector<1x16xf32> to vector<16xf32>
        %get3A_173 = arith.index_cast %scan3A_100 : i32 to index
        %get3A_174 = arith.constant 80 : index
        %get3A_175 = tpu.vector_load %arg8[%get3A_173, %get3A_174] {strides = array<i32>} : memref<64x768xf32, #tpu.memory_space<vmem>>, vector<1x16xf32>,
        %get3A_176 = vector.shape_cast %get3A_175 : vector<1x16xf32> to vector<16xf32>
        %add3A_177 = arith.addf %get3A_172, %get3A_176 : vector<16xf32>
        %swap3A_178 = arith.index_cast %scan3A_100 : i32 to index
        %swap3A_179 = arith.constant 80 : index
        %swap3A_180 = tpu.vector_load %arg7[%swap3A_178, %swap3A_179] {strides = array<i32>} : memref<64x768xf32, #tpu.memory_space<vmem>>, vector<1x16xf32>,
        %swap3A_181 = vector.shape_cast %swap3A_180 : vector<1x16xf32> to vector<16xf32>
        %swap3A_182 = vector.shape_cast %add3A_177 : vector<16xf32> to vector<1x16xf32>
        tpu.vector_store %arg7[%swap3A_178, %swap3A_179], %swap3A_182 {strides = array<i32>} : memref<64x768xf32, #tpu.memory_space<vmem>>, vector<1x16xf32>,
        %get3A_183 = arith.index_cast %scan3A_100 : i32 to index
        %get3A_184 = arith.constant 96 : index
        %get3A_185 = tpu.vector_load %arg7[%get3A_183, %get3A_184] {strides = array<i32>} : memref<64x768xf32, #tpu.memory_space<vmem>>, vector<1x16xf32>,
        %get3A_186 = vector.shape_cast %get3A_185 : vector<1x16xf32> to vector<16xf32>
        %get3A_187 = arith.index_cast %scan3A_100 : i32 to index
        %get3A_188 = arith.constant 96 : index
        %get3A_189 = tpu.vector_load %arg8[%get3A_187, %get3A_188] {strides = array<i32>} : memref<64x768xf32, #tpu.memory_space<vmem>>, vector<1x16xf32>,
        %get3A_190 = vector.shape_cast %get3A_189 : vector<1x16xf32> to vector<16xf32>
        %add3A_191 = arith.addf %get3A_186, %get3A_190 : vector<16xf32>
        %swap3A_192 = arith.index_cast %scan3A_100 : i32 to index
        %swap3A_193 = arith.constant 96 : index
        %swap3A_194 = tpu.vector_load %arg7[%swap3A_192, %swap3A_193] {strides = array<i32>} : memref<64x768xf32, #tpu.memory_space<vmem>>, vector<1x16xf32>,
        %swap3A_195 = vector.shape_cast %swap3A_194 : vector<1x16xf32> to vector<16xf32>
        %swap3A_196 = vector.shape_cast %add3A_191 : vector<16xf32> to vector<1x16xf32>
        tpu.vector_store %arg7[%swap3A_192, %swap3A_193], %swap3A_196 {strides = array<i32>} : memref<64x768xf32, #tpu.memory_space<vmem>>, vector<1x16xf32>,
        %get3A_197 = arith.index_cast %scan3A_100 : i32 to index
        %get3A_198 = arith.constant 112 : index
        %get3A_199 = tpu.vector_load %arg7[%get3A_197, %get3A_198] {strides = array<i32>} : memref<64x768xf32, #tpu.memory_space<vmem>>, vector<1x16xf32>,
        %get3A_200 = vector.shape_cast %get3A_199 : vector<1x16xf32> to vector<16xf32>
        %get3A_201 = arith.index_cast %scan3A_100 : i32 to index
        %get3A_202 = arith.constant 112 : index
        %get3A_203 = tpu.vector_load %arg8[%get3A_201, %get3A_202] {strides = array<i32>} : memref<64x768xf32, #tpu.memory_space<vmem>>, vector<1x16xf32>,
        %get3A_204 = vector.shape_cast %get3A_203 : vector<1x16xf32> to vector<16xf32>
        %add3A_205 = arith.addf %get3A_200, %get3A_204 : vector<16xf32>
        %swap3A_206 = arith.index_cast %scan3A_100 : i32 to index
        %swap3A_207 = arith.constant 112 : index
        %swap3A_208 = tpu.vector_load %arg7[%swap3A_206, %swap3A_207] {strides = array<i32>} : memref<64x768xf32, #tpu.memory_space<vmem>>, vector<1x16xf32>,
        %swap3A_209 = vector.shape_cast %swap3A_208 : vector<1x16xf32> to vector<16xf32>
        %swap3A_210 = vector.shape_cast %add3A_205 : vector<16xf32> to vector<1x16xf32>
        tpu.vector_store %arg7[%swap3A_206, %swap3A_207], %swap3A_210 {strides = array<i32>} : memref<64x768xf32, #tpu.memory_space<vmem>>, vector<1x16xf32>,
        %get3A_211 = arith.index_cast %scan3A_100 : i32 to index
        %get3A_212 = arith.constant 128 : index
        %get3A_213 = tpu.vector_load %arg7[%get3A_211, %get3A_212] {strides = array<i32>} : memref<64x768xf32, #tpu.memory_space<vmem>>, vector<1x16xf32>,
        %get3A_214 = vector.shape_cast %get3A_213 : vector<1x16xf32> to vector<16xf32>
        %get3A_215 = arith.index_cast %scan3A_100 : i32 to index
        %get3A_216 = arith.constant 128 : index
        %get3A_217 = tpu.vector_load %arg8[%get3A_215, %get3A_216] {strides = array<i32>} : memref<64x768xf32, #tpu.memory_space<vmem>>, vector<1x16xf32>,
        %get3A_218 = vector.shape_cast %get3A_217 : vector<1x16xf32> to vector<16xf32>
        %add3A_219 = arith.addf %get3A_214, %get3A_218 : vector<16xf32>
        %swap3A_220 = arith.index_cast %scan3A_100 : i32 to index
        %swap3A_221 = arith.constant 128 : index
        %swap3A_222 = tpu.vector_load %arg7[%swap3A_220, %swap3A_221] {strides = array<i32>} : memref<64x768xf32, #tpu.memory_space<vmem>>, vector<1x16xf32>,
        %swap3A_223 = vector.shape_cast %swap3A_222 : vector<1x16xf32> to vector<16xf32>
        %swap3A_224 = vector.shape_cast %add3A_219 : vector<16xf32> to vector<1x16xf32>
        tpu.vector_store %arg7[%swap3A_220, %swap3A_221], %swap3A_224 {strides = array<i32>} : memref<64x768xf32, #tpu.memory_space<vmem>>, vector<1x16xf32>,
        %get3A_225 = arith.index_cast %scan3A_100 : i32 to index
        %get3A_226 = arith.constant 144 : index
        %get3A_227 = tpu.vector_load %arg7[%get3A_225, %get3A_226] {strides = array<i32>} : memref<64x768xf32, #tpu.memory_space<vmem>>, vector<1x16xf32>,
        %get3A_228 = vector.shape_cast %get3A_227 : vector<1x16xf32> to vector<16xf32>
        %get3A_229 = arith.index_cast %scan3A_100 : i32 to index
        %get3A_230 = arith.constant 144 : index
        %get3A_231 = tpu.vector_load %arg8[%get3A_229, %get3A_230] {strides = array<i32>} : memref<64x768xf32, #tpu.memory_space<vmem>>, vector<1x16xf32>,
        %get3A_232 = vector.shape_cast %get3A_231 : vector<1x16xf32> to vector<16xf32>
        %add3A_233 = arith.addf %get3A_228, %get3A_232 : vector<16xf32>
        %swap3A_234 = arith.index_cast %scan3A_100 : i32 to index
        %swap3A_235 = arith.constant 144 : index
        %swap3A_236 = tpu.vector_load %arg7[%swap3A_234, %swap3A_235] {strides = array<i32>} : memref<64x768xf32, #tpu.memory_space<vmem>>, vector<1x16xf32>,
        %swap3A_237 = vector.shape_cast %swap3A_236 : vector<1x16xf32> to vector<16xf32>
        %swap3A_238 = vector.shape_cast %add3A_233 : vector<16xf32> to vector<1x16xf32>
        tpu.vector_store %arg7[%swap3A_234, %swap3A_235], %swap3A_238 {strides = array<i32>} : memref<64x768xf32, #tpu.memory_space<vmem>>, vector<1x16xf32>,
        %get3A_239 = arith.index_cast %scan3A_100 : i32 to index
        %get3A_240 = arith.constant 160 : index
        %get3A_241 = tpu.vector_load %arg7[%get3A_239, %get3A_240] {strides = array<i32>} : memref<64x768xf32, #tpu.memory_space<vmem>>, vector<1x16xf32>,
        %get3A_242 = vector.shape_cast %get3A_241 : vector<1x16xf32> to vector<16xf32>
        %get3A_243 = arith.index_cast %scan3A_100 : i32 to index
        %get3A_244 = arith.constant 160 : index
        %get3A_245 = tpu.vector_load %arg8[%get3A_243, %get3A_244] {strides = array<i32>} : memref<64x768xf32, #tpu.memory_space<vmem>>, vector<1x16xf32>,
        %get3A_246 = vector.shape_cast %get3A_245 : vector<1x16xf32> to vector<16xf32>
        %add3A_247 = arith.addf %get3A_242, %get3A_246 : vector<16xf32>
        %swap3A_248 = arith.index_cast %scan3A_100 : i32 to index
        %swap3A_249 = arith.constant 160 : index
        %swap3A_250 = tpu.vector_load %arg7[%swap3A_248, %swap3A_249] {strides = array<i32>} : memref<64x768xf32, #tpu.memory_space<vmem>>, vector<1x16xf32>,
        %swap3A_251 = vector.shape_cast %swap3A_250 : vector<1x16xf32> to vector<16xf32>
        %swap3A_252 = vector.shape_cast %add3A_247 : vector<16xf32> to vector<1x16xf32>
        tpu.vector_store %arg7[%swap3A_248, %swap3A_249], %swap3A_252 {strides = array<i32>} : memref<64x768xf32, #tpu.memory_space<vmem>>, vector<1x16xf32>,
        %get3A_253 = arith.index_cast %scan3A_100 : i32 to index
        %get3A_254 = arith.constant 176 : index
        %get3A_255 = tpu.vector_load %arg7[%get3A_253, %get3A_254] {strides = array<i32>} : memref<64x768xf32, #tpu.memory_space<vmem>>, vector<1x16xf32>,
        %get3A_256 = vector.shape_cast %get3A_255 : vector<1x16xf32> to vector<16xf32>
        %get3A_257 = arith.index_cast %scan3A_100 : i32 to index
        %get3A_258 = arith.constant 176 : index
        %get3A_259 = tpu.vector_load %arg8[%get3A_257, %get3A_258] {strides = array<i32>} : memref<64x768xf32, #tpu.memory_space<vmem>>, vector<1x16xf32>,
        %get3A_260 = vector.shape_cast %get3A_259 : vector<1x16xf32> to vector<16xf32>
        %add3A_261 = arith.addf %get3A_256, %get3A_260 : vector<16xf32>
        %swap3A_262 = arith.index_cast %scan3A_100 : i32 to index
        %swap3A_263 = arith.constant 176 : index
        %swap3A_264 = tpu.vector_load %arg7[%swap3A_262, %swap3A_263] {strides = array<i32>} : memref<64x768xf32, #tpu.memory_space<vmem>>, vector<1x16xf32>,
        %swap3A_265 = vector.shape_cast %swap3A_264 : vector<1x16xf32> to vector<16xf32>
        %swap3A_266 = vector.shape_cast %add3A_261 : vector<16xf32> to vector<1x16xf32>
        tpu.vector_store %arg7[%swap3A_262, %swap3A_263], %swap3A_266 {strides = array<i32>} : memref<64x768xf32, #tpu.memory_space<vmem>>, vector<1x16xf32>,
        %get3A_267 = arith.index_cast %scan3A_100 : i32 to index
        %get3A_268 = arith.constant 192 : index
        %get3A_269 = tpu.vector_load %arg7[%get3A_267, %get3A_268] {strides = array<i32>} : memref<64x768xf32, #tpu.memory_space<vmem>>, vector<1x16xf32>,
        %get3A_270 = vector.shape_cast %get3A_269 : vector<1x16xf32> to vector<16xf32>
        %get3A_271 = arith.index_cast %scan3A_100 : i32 to index
        %get3A_272 = arith.constant 192 : index
        %get3A_273 = tpu.vector_load %arg8[%get3A_271, %get3A_272] {strides = array<i32>} : memref<64x768xf32, #tpu.memory_space<vmem>>, vector<1x16xf32>,
        %get3A_274 = vector.shape_cast %get3A_273 : vector<1x16xf32> to vector<16xf32>
        %add3A_275 = arith.addf %get3A_270, %get3A_274 : vector<16xf32>
        %swap3A_276 = arith.index_cast %scan3A_100 : i32 to index
        %swap3A_277 = arith.constant 192 : index
        %swap3A_278 = tpu.vector_load %arg7[%swap3A_276, %swap3A_277] {strides = array<i32>} : memref<64x768xf32, #tpu.memory_space<vmem>>, vector<1x16xf32>,
        %swap3A_279 = vector.shape_cast %swap3A_278 : vector<1x16xf32> to vector<16xf32>
        %swap3A_280 = vector.shape_cast %add3A_275 : vector<16xf32> to vector<1x16xf32>
        tpu.vector_store %arg7[%swap3A_276, %swap3A_277], %swap3A_280 {strides = array<i32>} : memref<64x768xf32, #tpu.memory_space<vmem>>, vector<1x16xf32>,
        %get3A_281 = arith.index_cast %scan3A_100 : i32 to index
        %get3A_282 = arith.constant 208 : index
        %get3A_283 = tpu.vector_load %arg7[%get3A_281, %get3A_282] {strides = array<i32>} : memref<64x768xf32, #tpu.memory_space<vmem>>, vector<1x16xf32>,
        %get3A_284 = vector.shape_cast %get3A_283 : vector<1x16xf32> to vector<16xf32>
        %get3A_285 = arith.index_cast %scan3A_100 : i32 to index
        %get3A_286 = arith.constant 208 : index
        %get3A_287 = tpu.vector_load %arg8[%get3A_285, %get3A_286] {strides = array<i32>} : memref<64x768xf32, #tpu.memory_space<vmem>>, vector<1x16xf32>,
        %get3A_288 = vector.shape_cast %get3A_287 : vector<1x16xf32> to vector<16xf32>
        %add3A_289 = arith.addf %get3A_284, %get3A_288 : vector<16xf32>
        %swap3A_290 = arith.index_cast %scan3A_100 : i32 to index
        %swap3A_291 = arith.constant 208 : index
        %swap3A_292 = tpu.vector_load %arg7[%swap3A_290, %swap3A_291] {strides = array<i32>} : memref<64x768xf32, #tpu.memory_space<vmem>>, vector<1x16xf32>,
        %swap3A_293 = vector.shape_cast %swap3A_292 : vector<1x16xf32> to vector<16xf32>
        %swap3A_294 = vector.shape_cast %add3A_289 : vector<16xf32> to vector<1x16xf32>
        tpu.vector_store %arg7[%swap3A_290, %swap3A_291], %swap3A_294 {strides = array<i32>} : memref<64x768xf32, #tpu.memory_space<vmem>>, vector<1x16xf32>,
        %get3A_295 = arith.index_cast %scan3A_100 : i32 to index
        %get3A_296 = arith.constant 224 : index
        %get3A_297 = tpu.vector_load %arg7[%get3A_295, %get3A_296] {strides = array<i32>} : memref<64x768xf32, #tpu.memory_space<vmem>>, vector<1x16xf32>,
        %get3A_298 = vector.shape_cast %get3A_297 : vector<1x16xf32> to vector<16xf32>
        %get3A_299 = arith.index_cast %scan3A_100 : i32 to index
        %get3A_300 = arith.constant 224 : index
        %get3A_301 = tpu.vector_load %arg8[%get3A_299, %get3A_300] {strides = array<i32>} : memref<64x768xf32, #tpu.memory_space<vmem>>, vector<1x16xf32>,
        %get3A_302 = vector.shape_cast %get3A_301 : vector<1x16xf32> to vector<16xf32>
        %add3A_303 = arith.addf %get3A_298, %get3A_302 : vector<16xf32>
        %swap3A_304 = arith.index_cast %scan3A_100 : i32 to index
        %swap3A_305 = arith.constant 224 : index
        %swap3A_306 = tpu.vector_load %arg7[%swap3A_304, %swap3A_305] {strides = array<i32>} : memref<64x768xf32, #tpu.memory_space<vmem>>, vector<1x16xf32>,
        %swap3A_307 = vector.shape_cast %swap3A_306 : vector<1x16xf32> to vector<16xf32>
        %swap3A_308 = vector.shape_cast %add3A_303 : vector<16xf32> to vector<1x16xf32>
        tpu.vector_store %arg7[%swap3A_304, %swap3A_305], %swap3A_308 {strides = array<i32>} : memref<64x768xf32, #tpu.memory_space<vmem>>, vector<1x16xf32>,
        %get3A_309 = arith.index_cast %scan3A_100 : i32 to index
        %get3A_310 = arith.constant 240 : index
        %get3A_311 = tpu.vector_load %arg7[%get3A_309, %get3A_310] {strides = array<i32>} : memref<64x768xf32, #tpu.memory_space<vmem>>, vector<1x16xf32>,
        %get3A_312 = vector.shape_cast %get3A_311 : vector<1x16xf32> to vector<16xf32>
        %get3A_313 = arith.index_cast %scan3A_100 : i32 to index
        %get3A_314 = arith.constant 240 : index
        %get3A_315 = tpu.vector_load %arg8[%get3A_313, %get3A_314] {strides = array<i32>} : memref<64x768xf32, #tpu.memory_space<vmem>>, vector<1x16xf32>,
        %get3A_316 = vector.shape_cast %get3A_315 : vector<1x16xf32> to vector<16xf32>
        %add3A_317 = arith.addf %get3A_312, %get3A_316 : vector<16xf32>
        %swap3A_318 = arith.index_cast %scan3A_100 : i32 to index
        %swap3A_319 = arith.constant 240 : index
        %swap3A_320 = tpu.vector_load %arg7[%swap3A_318, %swap3A_319] {strides = array<i32>} : memref<64x768xf32, #tpu.memory_space<vmem>>, vector<1x16xf32>,
        %swap3A_321 = vector.shape_cast %swap3A_320 : vector<1x16xf32> to vector<16xf32>
        %swap3A_322 = vector.shape_cast %add3A_317 : vector<16xf32> to vector<1x16xf32>
        tpu.vector_store %arg7[%swap3A_318, %swap3A_319], %swap3A_322 {strides = array<i32>} : memref<64x768xf32, #tpu.memory_space<vmem>>, vector<1x16xf32>,
        %get3A_323 = arith.index_cast %scan3A_100 : i32 to index
        %get3A_324 = arith.constant 256 : index
        %get3A_325 = tpu.vector_load %arg7[%get3A_323, %get3A_324] {strides = array<i32>} : memref<64x768xf32, #tpu.memory_space<vmem>>, vector<1x16xf32>,
        %get3A_326 = vector.shape_cast %get3A_325 : vector<1x16xf32> to vector<16xf32>
        %get3A_327 = arith.index_cast %scan3A_100 : i32 to index
        %get3A_328 = arith.constant 256 : index
        %get3A_329 = tpu.vector_load %arg8[%get3A_327, %get3A_328] {strides = array<i32>} : memref<64x768xf32, #tpu.memory_space<vmem>>, vector<1x16xf32>,
        %get3A_330 = vector.shape_cast %get3A_329 : vector<1x16xf32> to vector<16xf32>
        %add3A_331 = arith.addf %get3A_326, %get3A_330 : vector<16xf32>
        %swap3A_332 = arith.index_cast %scan3A_100 : i32 to index
        %swap3A_333 = arith.constant 256 : index
        %swap3A_334 = tpu.vector_load %arg7[%swap3A_332, %swap3A_333] {strides = array<i32>} : memref<64x768xf32, #tpu.memory_space<vmem>>, vector<1x16xf32>,
        %swap3A_335 = vector.shape_cast %swap3A_334 : vector<1x16xf32> to vector<16xf32>
        %swap3A_336 = vector.shape_cast %add3A_331 : vector<16xf32> to vector<1x16xf32>
        tpu.vector_store %arg7[%swap3A_332, %swap3A_333], %swap3A_336 {strides = array<i32>} : memref<64x768xf32, #tpu.memory_space<vmem>>, vector<1x16xf32>,
        %get3A_337 = arith.index_cast %scan3A_100 : i32 to index
        %get3A_338 = arith.constant 272 : index
        %get3A_339 = tpu.vector_load %arg7[%get3A_337, %get3A_338] {strides = array<i32>} : memref<64x768xf32, #tpu.memory_space<vmem>>, vector<1x16xf32>,
        %get3A_340 = vector.shape_cast %get3A_339 : vector<1x16xf32> to vector<16xf32>
        %get3A_341 = arith.index_cast %scan3A_100 : i32 to index
        %get3A_342 = arith.constant 272 : index
        %get3A_343 = tpu.vector_load %arg8[%get3A_341, %get3A_342] {strides = array<i32>} : memref<64x768xf32, #tpu.memory_space<vmem>>, vector<1x16xf32>,
        %get3A_344 = vector.shape_cast %get3A_343 : vector<1x16xf32> to vector<16xf32>
        %add3A_345 = arith.addf %get3A_340, %get3A_344 : vector<16xf32>
        %swap3A_346 = arith.index_cast %scan3A_100 : i32 to index
        %swap3A_347 = arith.constant 272 : index
        %swap3A_348 = tpu.vector_load %arg7[%swap3A_346, %swap3A_347] {strides = array<i32>} : memref<64x768xf32, #tpu.memory_space<vmem>>, vector<1x16xf32>,
        %swap3A_349 = vector.shape_cast %swap3A_348 : vector<1x16xf32> to vector<16xf32>
        %swap3A_350 = vector.shape_cast %add3A_345 : vector<16xf32> to vector<1x16xf32>
        tpu.vector_store %arg7[%swap3A_346, %swap3A_347], %swap3A_350 {strides = array<i32>} : memref<64x768xf32, #tpu.memory_space<vmem>>, vector<1x16xf32>,
        %get3A_351 = arith.index_cast %scan3A_100 : i32 to index
        %get3A_352 = arith.constant 288 : index
        %get3A_353 = tpu.vector_load %arg7[%get3A_351, %get3A_352] {strides = array<i32>} : memref<64x768xf32, #tpu.memory_space<vmem>>, vector<1x16xf32>,
        %get3A_354 = vector.shape_cast %get3A_353 : vector<1x16xf32> to vector<16xf32>
        %get3A_355 = arith.index_cast %scan3A_100 : i32 to index
        %get3A_356 = arith.constant 288 : index
        %get3A_357 = tpu.vector_load %arg8[%get3A_355, %get3A_356] {strides = array<i32>} : memref<64x768xf32, #tpu.memory_space<vmem>>, vector<1x16xf32>,
        %get3A_358 = vector.shape_cast %get3A_357 : vector<1x16xf32> to vector<16xf32>
        %add3A_359 = arith.addf %get3A_354, %get3A_358 : vector<16xf32>
        %swap3A_360 = arith.index_cast %scan3A_100 : i32 to index
        %swap3A_361 = arith.constant 288 : index
        %swap3A_362 = tpu.vector_load %arg7[%swap3A_360, %swap3A_361] {strides = array<i32>} : memref<64x768xf32, #tpu.memory_space<vmem>>, vector<1x16xf32>,
        %swap3A_363 = vector.shape_cast %swap3A_362 : vector<1x16xf32> to vector<16xf32>
        %swap3A_364 = vector.shape_cast %add3A_359 : vector<16xf32> to vector<1x16xf32>
        tpu.vector_store %arg7[%swap3A_360, %swap3A_361], %swap3A_364 {strides = array<i32>} : memref<64x768xf32, #tpu.memory_space<vmem>>, vector<1x16xf32>,
        %get3A_365 = arith.index_cast %scan3A_100 : i32 to index
        %get3A_366 = arith.constant 304 : index
        %get3A_367 = tpu.vector_load %arg7[%get3A_365, %get3A_366] {strides = array<i32>} : memref<64x768xf32, #tpu.memory_space<vmem>>, vector<1x16xf32>,
        %get3A_368 = vector.shape_cast %get3A_367 : vector<1x16xf32> to vector<16xf32>
        %get3A_369 = arith.index_cast %scan3A_100 : i32 to index
        %get3A_370 = arith.constant 304 : index
        %get3A_371 = tpu.vector_load %arg8[%get3A_369, %get3A_370] {strides = array<i32>} : memref<64x768xf32, #tpu.memory_space<vmem>>, vector<1x16xf32>,
        %get3A_372 = vector.shape_cast %get3A_371 : vector<1x16xf32> to vector<16xf32>
        %add3A_373 = arith.addf %get3A_368, %get3A_372 : vector<16xf32>
        %swap3A_374 = arith.index_cast %scan3A_100 : i32 to index
        %swap3A_375 = arith.constant 304 : index
        %swap3A_376 = tpu.vector_load %arg7[%swap3A_374, %swap3A_375] {strides = array<i32>} : memref<64x768xf32, #tpu.memory_space<vmem>>, vector<1x16xf32>,
        %swap3A_377 = vector.shape_cast %swap3A_376 : vector<1x16xf32> to vector<16xf32>
        %swap3A_378 = vector.shape_cast %add3A_373 : vector<16xf32> to vector<1x16xf32>
        tpu.vector_store %arg7[%swap3A_374, %swap3A_375], %swap3A_378 {strides = array<i32>} : memref<64x768xf32, #tpu.memory_space<vmem>>, vector<1x16xf32>,
        %get3A_379 = arith.index_cast %scan3A_100 : i32 to index
        %get3A_380 = arith.constant 320 : index
        %get3A_381 = tpu.vector_load %arg7[%get3A_379, %get3A_380] {strides = array<i32>} : memref<64x768xf32, #tpu.memory_space<vmem>>, vector<1x16xf32>,
        %get3A_382 = vector.shape_cast %get3A_381 : vector<1x16xf32> to vector<16xf32>
        %get3A_383 = arith.index_cast %scan3A_100 : i32 to index
        %get3A_384 = arith.constant 320 : index
        %get3A_385 = tpu.vector_load %arg8[%get3A_383, %get3A_384] {strides = array<i32>} : memref<64x768xf32, #tpu.memory_space<vmem>>, vector<1x16xf32>,
        %get3A_386 = vector.shape_cast %get3A_385 : vector<1x16xf32> to vector<16xf32>
        %add3A_387 = arith.addf %get3A_382, %get3A_386 : vector<16xf32>
        %swap3A_388 = arith.index_cast %scan3A_100 : i32 to index
        %swap3A_389 = arith.constant 320 : index
        %swap3A_390 = tpu.vector_load %arg7[%swap3A_388, %swap3A_389] {strides = array<i32>} : memref<64x768xf32, #tpu.memory_space<vmem>>, vector<1x16xf32>,
        %swap3A_391 = vector.shape_cast %swap3A_390 : vector<1x16xf32> to vector<16xf32>
        %swap3A_392 = vector.shape_cast %add3A_387 : vector<16xf32> to vector<1x16xf32>
        tpu.vector_store %arg7[%swap3A_388, %swap3A_389], %swap3A_392 {strides = array<i32>} : memref<64x768xf32, #tpu.memory_space<vmem>>, vector<1x16xf32>,
        %get3A_393 = arith.index_cast %scan3A_100 : i32 to index
        %get3A_394 = arith.constant 336 : index
        %get3A_395 = tpu.vector_load %arg7[%get3A_393, %get3A_394] {strides = array<i32>} : memref<64x768xf32, #tpu.memory_space<vmem>>, vector<1x16xf32>,
        %get3A_396 = vector.shape_cast %get3A_395 : vector<1x16xf32> to vector<16xf32>
        %get3A_397 = arith.index_cast %scan3A_100 : i32 to index
        %get3A_398 = arith.constant 336 : index
        %get3A_399 = tpu.vector_load %arg8[%get3A_397, %get3A_398] {strides = array<i32>} : memref<64x768xf32, #tpu.memory_space<vmem>>, vector<1x16xf32>,
        %get3A_400 = vector.shape_cast %get3A_399 : vector<1x16xf32> to vector<16xf32>
        %add3A_401 = arith.addf %get3A_396, %get3A_400 : vector<16xf32>
        %swap3A_402 = arith.index_cast %scan3A_100 : i32 to index
        %swap3A_403 = arith.constant 336 : index
        %swap3A_404 = tpu.vector_load %arg7[%swap3A_402, %swap3A_403] {strides = array<i32>} : memref<64x768xf32, #tpu.memory_space<vmem>>, vector<1x16xf32>,
        %swap3A_405 = vector.shape_cast %swap3A_404 : vector<1x16xf32> to vector<16xf32>
        %swap3A_406 = vector.shape_cast %add3A_401 : vector<16xf32> to vector<1x16xf32>
        tpu.vector_store %arg7[%swap3A_402, %swap3A_403], %swap3A_406 {strides = array<i32>} : memref<64x768xf32, #tpu.memory_space<vmem>>, vector<1x16xf32>,
        %get3A_407 = arith.index_cast %scan3A_100 : i32 to index
        %get3A_408 = arith.constant 352 : index
        %get3A_409 = tpu.vector_load %arg7[%get3A_407, %get3A_408] {strides = array<i32>} : memref<64x768xf32, #tpu.memory_space<vmem>>, vector<1x16xf32>,
        %get3A_410 = vector.shape_cast %get3A_409 : vector<1x16xf32> to vector<16xf32>
        %get3A_411 = arith.index_cast %scan3A_100 : i32 to index
        %get3A_412 = arith.constant 352 : index
        %get3A_413 = tpu.vector_load %arg8[%get3A_411, %get3A_412] {strides = array<i32>} : memref<64x768xf32, #tpu.memory_space<vmem>>, vector<1x16xf32>,
        %get3A_414 = vector.shape_cast %get3A_413 : vector<1x16xf32> to vector<16xf32>
        %add3A_415 = arith.addf %get3A_410, %get3A_414 : vector<16xf32>
        %swap3A_416 = arith.index_cast %scan3A_100 : i32 to index
        %swap3A_417 = arith.constant 352 : index
        %swap3A_418 = tpu.vector_load %arg7[%swap3A_416, %swap3A_417] {strides = array<i32>} : memref<64x768xf32, #tpu.memory_space<vmem>>, vector<1x16xf32>,
        %swap3A_419 = vector.shape_cast %swap3A_418 : vector<1x16xf32> to vector<16xf32>
        %swap3A_420 = vector.shape_cast %add3A_415 : vector<16xf32> to vector<1x16xf32>
        tpu.vector_store %arg7[%swap3A_416, %swap3A_417], %swap3A_420 {strides = array<i32>} : memref<64x768xf32, #tpu.memory_space<vmem>>, vector<1x16xf32>,
        %get3A_421 = arith.index_cast %scan3A_100 : i32 to index
        %get3A_422 = arith.constant 368 : index
        %get3A_423 = tpu.vector_load %arg7[%get3A_421, %get3A_422] {strides = array<i32>} : memref<64x768xf32, #tpu.memory_space<vmem>>, vector<1x16xf32>,
        %get3A_424 = vector.shape_cast %get3A_423 : vector<1x16xf32> to vector<16xf32>
        %get3A_425 = arith.index_cast %scan3A_100 : i32 to index
        %get3A_426 = arith.constant 368 : index
        %get3A_427 = tpu.vector_load %arg8[%get3A_425, %get3A_426] {strides = array<i32>} : memref<64x768xf32, #tpu.memory_space<vmem>>, vector<1x16xf32>,
        %get3A_428 = vector.shape_cast %get3A_427 : vector<1x16xf32> to vector<16xf32>
        %add3A_429 = arith.addf %get3A_424, %get3A_428 : vector<16xf32>
        %swap3A_430 = arith.index_cast %scan3A_100 : i32 to index
        %swap3A_431 = arith.constant 368 : index
        %swap3A_432 = tpu.vector_load %arg7[%swap3A_430, %swap3A_431] {strides = array<i32>} : memref<64x768xf32, #tpu.memory_space<vmem>>, vector<1x16xf32>,
        %swap3A_433 = vector.shape_cast %swap3A_432 : vector<1x16xf32> to vector<16xf32>
        %swap3A_434 = vector.shape_cast %add3A_429 : vector<16xf32> to vector<1x16xf32>
        tpu.vector_store %arg7[%swap3A_430, %swap3A_431], %swap3A_434 {strides = array<i32>} : memref<64x768xf32, #tpu.memory_space<vmem>>, vector<1x16xf32>,
        %get3A_435 = arith.index_cast %scan3A_100 : i32 to index
        %get3A_436 = arith.constant 384 : index
        %get3A_437 = tpu.vector_load %arg7[%get3A_435, %get3A_436] {strides = array<i32>} : memref<64x768xf32, #tpu.memory_space<vmem>>, vector<1x16xf32>,
        %get3A_438 = vector.shape_cast %get3A_437 : vector<1x16xf32> to vector<16xf32>
        %get3A_439 = arith.index_cast %scan3A_100 : i32 to index
        %get3A_440 = arith.constant 384 : index
        %get3A_441 = tpu.vector_load %arg8[%get3A_439, %get3A_440] {strides = array<i32>} : memref<64x768xf32, #tpu.memory_space<vmem>>, vector<1x16xf32>,
        %get3A_442 = vector.shape_cast %get3A_441 : vector<1x16xf32> to vector<16xf32>
        %add3A_443 = arith.addf %get3A_438, %get3A_442 : vector<16xf32>
        %swap3A_444 = arith.index_cast %scan3A_100 : i32 to index
        %swap3A_445 = arith.constant 384 : index
        %swap3A_446 = tpu.vector_load %arg7[%swap3A_444, %swap3A_445] {strides = array<i32>} : memref<64x768xf32, #tpu.memory_space<vmem>>, vector<1x16xf32>,
        %swap3A_447 = vector.shape_cast %swap3A_446 : vector<1x16xf32> to vector<16xf32>
        %swap3A_448 = vector.shape_cast %add3A_443 : vector<16xf32> to vector<1x16xf32>
        tpu.vector_store %arg7[%swap3A_444, %swap3A_445], %swap3A_448 {strides = array<i32>} : memref<64x768xf32, #tpu.memory_space<vmem>>, vector<1x16xf32>,
        %get3A_449 = arith.index_cast %scan3A_100 : i32 to index
        %get3A_450 = arith.constant 400 : index
        %get3A_451 = tpu.vector_load %arg7[%get3A_449, %get3A_450] {strides = array<i32>} : memref<64x768xf32, #tpu.memory_space<vmem>>, vector<1x16xf32>,
        %get3A_452 = vector.shape_cast %get3A_451 : vector<1x16xf32> to vector<16xf32>
        %get3A_453 = arith.index_cast %scan3A_100 : i32 to index
        %get3A_454 = arith.constant 400 : index
        %get3A_455 = tpu.vector_load %arg8[%get3A_453, %get3A_454] {strides = array<i32>} : memref<64x768xf32, #tpu.memory_space<vmem>>, vector<1x16xf32>,
        %get3A_456 = vector.shape_cast %get3A_455 : vector<1x16xf32> to vector<16xf32>
        %add3A_457 = arith.addf %get3A_452, %get3A_456 : vector<16xf32>
        %swap3A_458 = arith.index_cast %scan3A_100 : i32 to index
        %swap3A_459 = arith.constant 400 : index
        %swap3A_460 = tpu.vector_load %arg7[%swap3A_458, %swap3A_459] {strides = array<i32>} : memref<64x768xf32, #tpu.memory_space<vmem>>, vector<1x16xf32>,
        %swap3A_461 = vector.shape_cast %swap3A_460 : vector<1x16xf32> to vector<16xf32>
        %swap3A_462 = vector.shape_cast %add3A_457 : vector<16xf32> to vector<1x16xf32>
        tpu.vector_store %arg7[%swap3A_458, %swap3A_459], %swap3A_462 {strides = array<i32>} : memref<64x768xf32, #tpu.memory_space<vmem>>, vector<1x16xf32>,
        %get3A_463 = arith.index_cast %scan3A_100 : i32 to index
        %get3A_464 = arith.constant 416 : index
        %get3A_465 = tpu.vector_load %arg7[%get3A_463, %get3A_464] {strides = array<i32>} : memref<64x768xf32, #tpu.memory_space<vmem>>, vector<1x16xf32>,
        %get3A_466 = vector.shape_cast %get3A_465 : vector<1x16xf32> to vector<16xf32>
        %get3A_467 = arith.index_cast %scan3A_100 : i32 to index
        %get3A_468 = arith.constant 416 : index
        %get3A_469 = tpu.vector_load %arg8[%get3A_467, %get3A_468] {strides = array<i32>} : memref<64x768xf32, #tpu.memory_space<vmem>>, vector<1x16xf32>,
        %get3A_470 = vector.shape_cast %get3A_469 : vector<1x16xf32> to vector<16xf32>
        %add3A_471 = arith.addf %get3A_466, %get3A_470 : vector<16xf32>
        %swap3A_472 = arith.index_cast %scan3A_100 : i32 to index
        %swap3A_473 = arith.constant 416 : index
        %swap3A_474 = tpu.vector_load %arg7[%swap3A_472, %swap3A_473] {strides = array<i32>} : memref<64x768xf32, #tpu.memory_space<vmem>>, vector<1x16xf32>,
        %swap3A_475 = vector.shape_cast %swap3A_474 : vector<1x16xf32> to vector<16xf32>
        %swap3A_476 = vector.shape_cast %add3A_471 : vector<16xf32> to vector<1x16xf32>
        tpu.vector_store %arg7[%swap3A_472, %swap3A_473], %swap3A_476 {strides = array<i32>} : memref<64x768xf32, #tpu.memory_space<vmem>>, vector<1x16xf32>,
        %get3A_477 = arith.index_cast %scan3A_100 : i32 to index
        %get3A_478 = arith.constant 432 : index
        %get3A_479 = tpu.vector_load %arg7[%get3A_477, %get3A_478] {strides = array<i32>} : memref<64x768xf32, #tpu.memory_space<vmem>>, vector<1x16xf32>,
        %get3A_480 = vector.shape_cast %get3A_479 : vector<1x16xf32> to vector<16xf32>
        %get3A_481 = arith.index_cast %scan3A_100 : i32 to index
        %get3A_482 = arith.constant 432 : index
        %get3A_483 = tpu.vector_load %arg8[%get3A_481, %get3A_482] {strides = array<i32>} : memref<64x768xf32, #tpu.memory_space<vmem>>, vector<1x16xf32>,
        %get3A_484 = vector.shape_cast %get3A_483 : vector<1x16xf32> to vector<16xf32>
        %add3A_485 = arith.addf %get3A_480, %get3A_484 : vector<16xf32>
        %swap3A_486 = arith.index_cast %scan3A_100 : i32 to index
        %swap3A_487 = arith.constant 432 : index
        %swap3A_488 = tpu.vector_load %arg7[%swap3A_486, %swap3A_487] {strides = array<i32>} : memref<64x768xf32, #tpu.memory_space<vmem>>, vector<1x16xf32>,
        %swap3A_489 = vector.shape_cast %swap3A_488 : vector<1x16xf32> to vector<16xf32>
        %swap3A_490 = vector.shape_cast %add3A_485 : vector<16xf32> to vector<1x16xf32>
        tpu.vector_store %arg7[%swap3A_486, %swap3A_487], %swap3A_490 {strides = array<i32>} : memref<64x768xf32, #tpu.memory_space<vmem>>, vector<1x16xf32>,
        %get3A_491 = arith.index_cast %scan3A_100 : i32 to index
        %get3A_492 = arith.constant 448 : index
        %get3A_493 = tpu.vector_load %arg7[%get3A_491, %get3A_492] {strides = array<i32>} : memref<64x768xf32, #tpu.memory_space<vmem>>, vector<1x16xf32>,
        %get3A_494 = vector.shape_cast %get3A_493 : vector<1x16xf32> to vector<16xf32>
        %get3A_495 = arith.index_cast %scan3A_100 : i32 to index
        %get3A_496 = arith.constant 448 : index
        %get3A_497 = tpu.vector_load %arg8[%get3A_495, %get3A_496] {strides = array<i32>} : memref<64x768xf32, #tpu.memory_space<vmem>>, vector<1x16xf32>,
        %get3A_498 = vector.shape_cast %get3A_497 : vector<1x16xf32> to vector<16xf32>
        %add3A_499 = arith.addf %get3A_494, %get3A_498 : vector<16xf32>
        %swap3A_500 = arith.index_cast %scan3A_100 : i32 to index
        %swap3A_501 = arith.constant 448 : index
        %swap3A_502 = tpu.vector_load %arg7[%swap3A_500, %swap3A_501] {strides = array<i32>} : memref<64x768xf32, #tpu.memory_space<vmem>>, vector<1x16xf32>,
        %swap3A_503 = vector.shape_cast %swap3A_502 : vector<1x16xf32> to vector<16xf32>
        %swap3A_504 = vector.shape_cast %add3A_499 : vector<16xf32> to vector<1x16xf32>
        tpu.vector_store %arg7[%swap3A_500, %swap3A_501], %swap3A_504 {strides = array<i32>} : memref<64x768xf32, #tpu.memory_space<vmem>>, vector<1x16xf32>,
        %get3A_505 = arith.index_cast %scan3A_100 : i32 to index
        %get3A_506 = arith.constant 464 : index
        %get3A_507 = tpu.vector_load %arg7[%get3A_505, %get3A_506] {strides = array<i32>} : memref<64x768xf32, #tpu.memory_space<vmem>>, vector<1x16xf32>,
        %get3A_508 = vector.shape_cast %get3A_507 : vector<1x16xf32> to vector<16xf32>
        %get3A_509 = arith.index_cast %scan3A_100 : i32 to index
        %get3A_510 = arith.constant 464 : index
        %get3A_511 = tpu.vector_load %arg8[%get3A_509, %get3A_510] {strides = array<i32>} : memref<64x768xf32, #tpu.memory_space<vmem>>, vector<1x16xf32>,
        %get3A_512 = vector.shape_cast %get3A_511 : vector<1x16xf32> to vector<16xf32>
        %add3A_513 = arith.addf %get3A_508, %get3A_512 : vector<16xf32>
        %swap3A_514 = arith.index_cast %scan3A_100 : i32 to index
        %swap3A_515 = arith.constant 464 : index
        %swap3A_516 = tpu.vector_load %arg7[%swap3A_514, %swap3A_515] {strides = array<i32>} : memref<64x768xf32, #tpu.memory_space<vmem>>, vector<1x16xf32>,
        %swap3A_517 = vector.shape_cast %swap3A_516 : vector<1x16xf32> to vector<16xf32>
        %swap3A_518 = vector.shape_cast %add3A_513 : vector<16xf32> to vector<1x16xf32>
        tpu.vector_store %arg7[%swap3A_514, %swap3A_515], %swap3A_518 {strides = array<i32>} : memref<64x768xf32, #tpu.memory_space<vmem>>, vector<1x16xf32>,
        %get3A_519 = arith.index_cast %scan3A_100 : i32 to index
        %get3A_520 = arith.constant 480 : index
        %get3A_521 = tpu.vector_load %arg7[%get3A_519, %get3A_520] {strides = array<i32>} : memref<64x768xf32, #tpu.memory_space<vmem>>, vector<1x16xf32>,
        %get3A_522 = vector.shape_cast %get3A_521 : vector<1x16xf32> to vector<16xf32>
        %get3A_523 = arith.index_cast %scan3A_100 : i32 to index
        %get3A_524 = arith.constant 480 : index
        %get3A_525 = tpu.vector_load %arg8[%get3A_523, %get3A_524] {strides = array<i32>} : memref<64x768xf32, #tpu.memory_space<vmem>>, vector<1x16xf32>,
        %get3A_526 = vector.shape_cast %get3A_525 : vector<1x16xf32> to vector<16xf32>
        %add3A_527 = arith.addf %get3A_522, %get3A_526 : vector<16xf32>
        %swap3A_528 = arith.index_cast %scan3A_100 : i32 to index
        %swap3A_529 = arith.constant 480 : index
        %swap3A_530 = tpu.vector_load %arg7[%swap3A_528, %swap3A_529] {strides = array<i32>} : memref<64x768xf32, #tpu.memory_space<vmem>>, vector<1x16xf32>,
        %swap3A_531 = vector.shape_cast %swap3A_530 : vector<1x16xf32> to vector<16xf32>
        %swap3A_532 = vector.shape_cast %add3A_527 : vector<16xf32> to vector<1x16xf32>
        tpu.vector_store %arg7[%swap3A_528, %swap3A_529], %swap3A_532 {strides = array<i32>} : memref<64x768xf32, #tpu.memory_space<vmem>>, vector<1x16xf32>,
        %get3A_533 = arith.index_cast %scan3A_100 : i32 to index
        %get3A_534 = arith.constant 496 : index
        %get3A_535 = tpu.vector_load %arg7[%get3A_533, %get3A_534] {strides = array<i32>} : memref<64x768xf32, #tpu.memory_space<vmem>>, vector<1x16xf32>,
        %get3A_536 = vector.shape_cast %get3A_535 : vector<1x16xf32> to vector<16xf32>
        %get3A_537 = arith.index_cast %scan3A_100 : i32 to index
        %get3A_538 = arith.constant 496 : index
        %get3A_539 = tpu.vector_load %arg8[%get3A_537, %get3A_538] {strides = array<i32>} : memref<64x768xf32, #tpu.memory_space<vmem>>, vector<1x16xf32>,
        %get3A_540 = vector.shape_cast %get3A_539 : vector<1x16xf32> to vector<16xf32>
        %add3A_541 = arith.addf %get3A_536, %get3A_540 : vector<16xf32>
        %swap3A_542 = arith.index_cast %scan3A_100 : i32 to index
        %swap3A_543 = arith.constant 496 : index
        %swap3A_544 = tpu.vector_load %arg7[%swap3A_542, %swap3A_543] {strides = array<i32>} : memref<64x768xf32, #tpu.memory_space<vmem>>, vector<1x16xf32>,
        %swap3A_545 = vector.shape_cast %swap3A_544 : vector<1x16xf32> to vector<16xf32>
        %swap3A_546 = vector.shape_cast %add3A_541 : vector<16xf32> to vector<1x16xf32>
        tpu.vector_store %arg7[%swap3A_542, %swap3A_543], %swap3A_546 {strides = array<i32>} : memref<64x768xf32, #tpu.memory_space<vmem>>, vector<1x16xf32>,
        %get3A_547 = arith.index_cast %scan3A_100 : i32 to index
        %get3A_548 = arith.constant 512 : index
        %get3A_549 = tpu.vector_load %arg7[%get3A_547, %get3A_548] {strides = array<i32>} : memref<64x768xf32, #tpu.memory_space<vmem>>, vector<1x16xf32>,
        %get3A_550 = vector.shape_cast %get3A_549 : vector<1x16xf32> to vector<16xf32>
        %get3A_551 = arith.index_cast %scan3A_100 : i32 to index
        %get3A_552 = arith.constant 512 : index
        %get3A_553 = tpu.vector_load %arg8[%get3A_551, %get3A_552] {strides = array<i32>} : memref<64x768xf32, #tpu.memory_space<vmem>>, vector<1x16xf32>,
        %get3A_554 = vector.shape_cast %get3A_553 : vector<1x16xf32> to vector<16xf32>
        %add3A_555 = arith.addf %get3A_550, %get3A_554 : vector<16xf32>
        %swap3A_556 = arith.index_cast %scan3A_100 : i32 to index
        %swap3A_557 = arith.constant 512 : index
        %swap3A_558 = tpu.vector_load %arg7[%swap3A_556, %swap3A_557] {strides = array<i32>} : memref<64x768xf32, #tpu.memory_space<vmem>>, vector<1x16xf32>,
        %swap3A_559 = vector.shape_cast %swap3A_558 : vector<1x16xf32> to vector<16xf32>
        %swap3A_560 = vector.shape_cast %add3A_555 : vector<16xf32> to vector<1x16xf32>
        tpu.vector_store %arg7[%swap3A_556, %swap3A_557], %swap3A_560 {strides = array<i32>} : memref<64x768xf32, #tpu.memory_space<vmem>>, vector<1x16xf32>,
        %get3A_561 = arith.index_cast %scan3A_100 : i32 to index
        %get3A_562 = arith.constant 528 : index
        %get3A_563 = tpu.vector_load %arg7[%get3A_561, %get3A_562] {strides = array<i32>} : memref<64x768xf32, #tpu.memory_space<vmem>>, vector<1x16xf32>,
        %get3A_564 = vector.shape_cast %get3A_563 : vector<1x16xf32> to vector<16xf32>
        %get3A_565 = arith.index_cast %scan3A_100 : i32 to index
        %get3A_566 = arith.constant 528 : index
        %get3A_567 = tpu.vector_load %arg8[%get3A_565, %get3A_566] {strides = array<i32>} : memref<64x768xf32, #tpu.memory_space<vmem>>, vector<1x16xf32>,
        %get3A_568 = vector.shape_cast %get3A_567 : vector<1x16xf32> to vector<16xf32>
        %add3A_569 = arith.addf %get3A_564, %get3A_568 : vector<16xf32>
        %swap3A_570 = arith.index_cast %scan3A_100 : i32 to index
        %swap3A_571 = arith.constant 528 : index
        %swap3A_572 = tpu.vector_load %arg7[%swap3A_570, %swap3A_571] {strides = array<i32>} : memref<64x768xf32, #tpu.memory_space<vmem>>, vector<1x16xf32>,
        %swap3A_573 = vector.shape_cast %swap3A_572 : vector<1x16xf32> to vector<16xf32>
        %swap3A_574 = vector.shape_cast %add3A_569 : vector<16xf32> to vector<1x16xf32>
        tpu.vector_store %arg7[%swap3A_570, %swap3A_571], %swap3A_574 {strides = array<i32>} : memref<64x768xf32, #tpu.memory_space<vmem>>, vector<1x16xf32>,
        %get3A_575 = arith.index_cast %scan3A_100 : i32 to index
        %get3A_576 = arith.constant 544 : index
        %get3A_577 = tpu.vector_load %arg7[%get3A_575, %get3A_576] {strides = array<i32>} : memref<64x768xf32, #tpu.memory_space<vmem>>, vector<1x16xf32>,
        %get3A_578 = vector.shape_cast %get3A_577 : vector<1x16xf32> to vector<16xf32>
        %get3A_579 = arith.index_cast %scan3A_100 : i32 to index
        %get3A_580 = arith.constant 544 : index
        %get3A_581 = tpu.vector_load %arg8[%get3A_579, %get3A_580] {strides = array<i32>} : memref<64x768xf32, #tpu.memory_space<vmem>>, vector<1x16xf32>,
        %get3A_582 = vector.shape_cast %get3A_581 : vector<1x16xf32> to vector<16xf32>
        %add3A_583 = arith.addf %get3A_578, %get3A_582 : vector<16xf32>
        %swap3A_584 = arith.index_cast %scan3A_100 : i32 to index
        %swap3A_585 = arith.constant 544 : index
        %swap3A_586 = tpu.vector_load %arg7[%swap3A_584, %swap3A_585] {strides = array<i32>} : memref<64x768xf32, #tpu.memory_space<vmem>>, vector<1x16xf32>,
        %swap3A_587 = vector.shape_cast %swap3A_586 : vector<1x16xf32> to vector<16xf32>
        %swap3A_588 = vector.shape_cast %add3A_583 : vector<16xf32> to vector<1x16xf32>
        tpu.vector_store %arg7[%swap3A_584, %swap3A_585], %swap3A_588 {strides = array<i32>} : memref<64x768xf32, #tpu.memory_space<vmem>>, vector<1x16xf32>,
        %get3A_589 = arith.index_cast %scan3A_100 : i32 to index
        %get3A_590 = arith.constant 560 : index
        %get3A_591 = tpu.vector_load %arg7[%get3A_589, %get3A_590] {strides = array<i32>} : memref<64x768xf32, #tpu.memory_space<vmem>>, vector<1x16xf32>,
        %get3A_592 = vector.shape_cast %get3A_591 : vector<1x16xf32> to vector<16xf32>
        %get3A_593 = arith.index_cast %scan3A_100 : i32 to index
        %get3A_594 = arith.constant 560 : index
        %get3A_595 = tpu.vector_load %arg8[%get3A_593, %get3A_594] {strides = array<i32>} : memref<64x768xf32, #tpu.memory_space<vmem>>, vector<1x16xf32>,
        %get3A_596 = vector.shape_cast %get3A_595 : vector<1x16xf32> to vector<16xf32>
        %add3A_597 = arith.addf %get3A_592, %get3A_596 : vector<16xf32>
        %swap3A_598 = arith.index_cast %scan3A_100 : i32 to index
        %swap3A_599 = arith.constant 560 : index
        %swap3A_600 = tpu.vector_load %arg7[%swap3A_598, %swap3A_599] {strides = array<i32>} : memref<64x768xf32, #tpu.memory_space<vmem>>, vector<1x16xf32>,
        %swap3A_601 = vector.shape_cast %swap3A_600 : vector<1x16xf32> to vector<16xf32>
        %swap3A_602 = vector.shape_cast %add3A_597 : vector<16xf32> to vector<1x16xf32>
        tpu.vector_store %arg7[%swap3A_598, %swap3A_599], %swap3A_602 {strides = array<i32>} : memref<64x768xf32, #tpu.memory_space<vmem>>, vector<1x16xf32>,
        %get3A_603 = arith.index_cast %scan3A_100 : i32 to index
        %get3A_604 = arith.constant 576 : index
        %get3A_605 = tpu.vector_load %arg7[%get3A_603, %get3A_604] {strides = array<i32>} : memref<64x768xf32, #tpu.memory_space<vmem>>, vector<1x16xf32>,
        %get3A_606 = vector.shape_cast %get3A_605 : vector<1x16xf32> to vector<16xf32>
        %get3A_607 = arith.index_cast %scan3A_100 : i32 to index
        %get3A_608 = arith.constant 576 : index
        %get3A_609 = tpu.vector_load %arg8[%get3A_607, %get3A_608] {strides = array<i32>} : memref<64x768xf32, #tpu.memory_space<vmem>>, vector<1x16xf32>,
        %get3A_610 = vector.shape_cast %get3A_609 : vector<1x16xf32> to vector<16xf32>
        %add3A_611 = arith.addf %get3A_606, %get3A_610 : vector<16xf32>
        %swap3A_612 = arith.index_cast %scan3A_100 : i32 to index
        %swap3A_613 = arith.constant 576 : index
        %swap3A_614 = tpu.vector_load %arg7[%swap3A_612, %swap3A_613] {strides = array<i32>} : memref<64x768xf32, #tpu.memory_space<vmem>>, vector<1x16xf32>,
        %swap3A_615 = vector.shape_cast %swap3A_614 : vector<1x16xf32> to vector<16xf32>
        %swap3A_616 = vector.shape_cast %add3A_611 : vector<16xf32> to vector<1x16xf32>
        tpu.vector_store %arg7[%swap3A_612, %swap3A_613], %swap3A_616 {strides = array<i32>} : memref<64x768xf32, #tpu.memory_space<vmem>>, vector<1x16xf32>,
        %get3A_617 = arith.index_cast %scan3A_100 : i32 to index
        %get3A_618 = arith.constant 592 : index
        %get3A_619 = tpu.vector_load %arg7[%get3A_617, %get3A_618] {strides = array<i32>} : memref<64x768xf32, #tpu.memory_space<vmem>>, vector<1x16xf32>,
        %get3A_620 = vector.shape_cast %get3A_619 : vector<1x16xf32> to vector<16xf32>
        %get3A_621 = arith.index_cast %scan3A_100 : i32 to index
        %get3A_622 = arith.constant 592 : index
        %get3A_623 = tpu.vector_load %arg8[%get3A_621, %get3A_622] {strides = array<i32>} : memref<64x768xf32, #tpu.memory_space<vmem>>, vector<1x16xf32>,
        %get3A_624 = vector.shape_cast %get3A_623 : vector<1x16xf32> to vector<16xf32>
        %add3A_625 = arith.addf %get3A_620, %get3A_624 : vector<16xf32>
        %swap3A_626 = arith.index_cast %scan3A_100 : i32 to index
        %swap3A_627 = arith.constant 592 : index
        %swap3A_628 = tpu.vector_load %arg7[%swap3A_626, %swap3A_627] {strides = array<i32>} : memref<64x768xf32, #tpu.memory_space<vmem>>, vector<1x16xf32>,
        %swap3A_629 = vector.shape_cast %swap3A_628 : vector<1x16xf32> to vector<16xf32>
        %swap3A_630 = vector.shape_cast %add3A_625 : vector<16xf32> to vector<1x16xf32>
        tpu.vector_store %arg7[%swap3A_626, %swap3A_627], %swap3A_630 {strides = array<i32>} : memref<64x768xf32, #tpu.memory_space<vmem>>, vector<1x16xf32>,
        %get3A_631 = arith.index_cast %scan3A_100 : i32 to index
        %get3A_632 = arith.constant 608 : index
        %get3A_633 = tpu.vector_load %arg7[%get3A_631, %get3A_632] {strides = array<i32>} : memref<64x768xf32, #tpu.memory_space<vmem>>, vector<1x16xf32>,
        %get3A_634 = vector.shape_cast %get3A_633 : vector<1x16xf32> to vector<16xf32>
        %get3A_635 = arith.index_cast %scan3A_100 : i32 to index
        %get3A_636 = arith.constant 608 : index
        %get3A_637 = tpu.vector_load %arg8[%get3A_635, %get3A_636] {strides = array<i32>} : memref<64x768xf32, #tpu.memory_space<vmem>>, vector<1x16xf32>,
        %get3A_638 = vector.shape_cast %get3A_637 : vector<1x16xf32> to vector<16xf32>
        %add3A_639 = arith.addf %get3A_634, %get3A_638 : vector<16xf32>
        %swap3A_640 = arith.index_cast %scan3A_100 : i32 to index
        %swap3A_641 = arith.constant 608 : index
        %swap3A_642 = tpu.vector_load %arg7[%swap3A_640, %swap3A_641] {strides = array<i32>} : memref<64x768xf32, #tpu.memory_space<vmem>>, vector<1x16xf32>,
        %swap3A_643 = vector.shape_cast %swap3A_642 : vector<1x16xf32> to vector<16xf32>
        %swap3A_644 = vector.shape_cast %add3A_639 : vector<16xf32> to vector<1x16xf32>
        tpu.vector_store %arg7[%swap3A_640, %swap3A_641], %swap3A_644 {strides = array<i32>} : memref<64x768xf32, #tpu.memory_space<vmem>>, vector<1x16xf32>,
        %get3A_645 = arith.index_cast %scan3A_100 : i32 to index
        %get3A_646 = arith.constant 624 : index
        %get3A_647 = tpu.vector_load %arg7[%get3A_645, %get3A_646] {strides = array<i32>} : memref<64x768xf32, #tpu.memory_space<vmem>>, vector<1x16xf32>,
        %get3A_648 = vector.shape_cast %get3A_647 : vector<1x16xf32> to vector<16xf32>
        %get3A_649 = arith.index_cast %scan3A_100 : i32 to index
        %get3A_650 = arith.constant 624 : index
        %get3A_651 = tpu.vector_load %arg8[%get3A_649, %get3A_650] {strides = array<i32>} : memref<64x768xf32, #tpu.memory_space<vmem>>, vector<1x16xf32>,
        %get3A_652 = vector.shape_cast %get3A_651 : vector<1x16xf32> to vector<16xf32>
        %add3A_653 = arith.addf %get3A_648, %get3A_652 : vector<16xf32>
        %swap3A_654 = arith.index_cast %scan3A_100 : i32 to index
        %swap3A_655 = arith.constant 624 : index
        %swap3A_656 = tpu.vector_load %arg7[%swap3A_654, %swap3A_655] {strides = array<i32>} : memref<64x768xf32, #tpu.memory_space<vmem>>, vector<1x16xf32>,
        %swap3A_657 = vector.shape_cast %swap3A_656 : vector<1x16xf32> to vector<16xf32>
        %swap3A_658 = vector.shape_cast %add3A_653 : vector<16xf32> to vector<1x16xf32>
        tpu.vector_store %arg7[%swap3A_654, %swap3A_655], %swap3A_658 {strides = array<i32>} : memref<64x768xf32, #tpu.memory_space<vmem>>, vector<1x16xf32>,
        %get3A_659 = arith.index_cast %scan3A_100 : i32 to index
        %get3A_660 = arith.constant 640 : index
        %get3A_661 = tpu.vector_load %arg7[%get3A_659, %get3A_660] {strides = array<i32>} : memref<64x768xf32, #tpu.memory_space<vmem>>, vector<1x16xf32>,
        %get3A_662 = vector.shape_cast %get3A_661 : vector<1x16xf32> to vector<16xf32>
        %get3A_663 = arith.index_cast %scan3A_100 : i32 to index
        %get3A_664 = arith.constant 640 : index
        %get3A_665 = tpu.vector_load %arg8[%get3A_663, %get3A_664] {strides = array<i32>} : memref<64x768xf32, #tpu.memory_space<vmem>>, vector<1x16xf32>,
        %get3A_666 = vector.shape_cast %get3A_665 : vector<1x16xf32> to vector<16xf32>
        %add3A_667 = arith.addf %get3A_662, %get3A_666 : vector<16xf32>
        %swap3A_668 = arith.index_cast %scan3A_100 : i32 to index
        %swap3A_669 = arith.constant 640 : index
        %swap3A_670 = tpu.vector_load %arg7[%swap3A_668, %swap3A_669] {strides = array<i32>} : memref<64x768xf32, #tpu.memory_space<vmem>>, vector<1x16xf32>,
        %swap3A_671 = vector.shape_cast %swap3A_670 : vector<1x16xf32> to vector<16xf32>
        %swap3A_672 = vector.shape_cast %add3A_667 : vector<16xf32> to vector<1x16xf32>
        tpu.vector_store %arg7[%swap3A_668, %swap3A_669], %swap3A_672 {strides = array<i32>} : memref<64x768xf32, #tpu.memory_space<vmem>>, vector<1x16xf32>,
        %get3A_673 = arith.index_cast %scan3A_100 : i32 to index
        %get3A_674 = arith.constant 656 : index
        %get3A_675 = tpu.vector_load %arg7[%get3A_673, %get3A_674] {strides = array<i32>} : memref<64x768xf32, #tpu.memory_space<vmem>>, vector<1x16xf32>,
        %get3A_676 = vector.shape_cast %get3A_675 : vector<1x16xf32> to vector<16xf32>
        %get3A_677 = arith.index_cast %scan3A_100 : i32 to index
        %get3A_678 = arith.constant 656 : index
        %get3A_679 = tpu.vector_load %arg8[%get3A_677, %get3A_678] {strides = array<i32>} : memref<64x768xf32, #tpu.memory_space<vmem>>, vector<1x16xf32>,
        %get3A_680 = vector.shape_cast %get3A_679 : vector<1x16xf32> to vector<16xf32>
        %add3A_681 = arith.addf %get3A_676, %get3A_680 : vector<16xf32>
        %swap3A_682 = arith.index_cast %scan3A_100 : i32 to index
        %swap3A_683 = arith.constant 656 : index
        %swap3A_684 = tpu.vector_load %arg7[%swap3A_682, %swap3A_683] {strides = array<i32>} : memref<64x768xf32, #tpu.memory_space<vmem>>, vector<1x16xf32>,
        %swap3A_685 = vector.shape_cast %swap3A_684 : vector<1x16xf32> to vector<16xf32>
        %swap3A_686 = vector.shape_cast %add3A_681 : vector<16xf32> to vector<1x16xf32>
        tpu.vector_store %arg7[%swap3A_682, %swap3A_683], %swap3A_686 {strides = array<i32>} : memref<64x768xf32, #tpu.memory_space<vmem>>, vector<1x16xf32>,
        %get3A_687 = arith.index_cast %scan3A_100 : i32 to index
        %get3A_688 = arith.constant 672 : index
        %get3A_689 = tpu.vector_load %arg7[%get3A_687, %get3A_688] {strides = array<i32>} : memref<64x768xf32, #tpu.memory_space<vmem>>, vector<1x16xf32>,
        %get3A_690 = vector.shape_cast %get3A_689 : vector<1x16xf32> to vector<16xf32>
        %get3A_691 = arith.index_cast %scan3A_100 : i32 to index
        %get3A_692 = arith.constant 672 : index
        %get3A_693 = tpu.vector_load %arg8[%get3A_691, %get3A_692] {strides = array<i32>} : memref<64x768xf32, #tpu.memory_space<vmem>>, vector<1x16xf32>,
        %get3A_694 = vector.shape_cast %get3A_693 : vector<1x16xf32> to vector<16xf32>
        %add3A_695 = arith.addf %get3A_690, %get3A_694 : vector<16xf32>
        %swap3A_696 = arith.index_cast %scan3A_100 : i32 to index
        %swap3A_697 = arith.constant 672 : index
        %swap3A_698 = tpu.vector_load %arg7[%swap3A_696, %swap3A_697] {strides = array<i32>} : memref<64x768xf32, #tpu.memory_space<vmem>>, vector<1x16xf32>,
        %swap3A_699 = vector.shape_cast %swap3A_698 : vector<1x16xf32> to vector<16xf32>
        %swap3A_700 = vector.shape_cast %add3A_695 : vector<16xf32> to vector<1x16xf32>
        tpu.vector_store %arg7[%swap3A_696, %swap3A_697], %swap3A_700 {strides = array<i32>} : memref<64x768xf32, #tpu.memory_space<vmem>>, vector<1x16xf32>,
        %get3A_701 = arith.index_cast %scan3A_100 : i32 to index
        %get3A_702 = arith.constant 688 : index
        %get3A_703 = tpu.vector_load %arg7[%get3A_701, %get3A_702] {strides = array<i32>} : memref<64x768xf32, #tpu.memory_space<vmem>>, vector<1x16xf32>,
        %get3A_704 = vector.shape_cast %get3A_703 : vector<1x16xf32> to vector<16xf32>
        %get3A_705 = arith.index_cast %scan3A_100 : i32 to index
        %get3A_706 = arith.constant 688 : index
        %get3A_707 = tpu.vector_load %arg8[%get3A_705, %get3A_706] {strides = array<i32>} : memref<64x768xf32, #tpu.memory_space<vmem>>, vector<1x16xf32>,
        %get3A_708 = vector.shape_cast %get3A_707 : vector<1x16xf32> to vector<16xf32>
        %add3A_709 = arith.addf %get3A_704, %get3A_708 : vector<16xf32>
        %swap3A_710 = arith.index_cast %scan3A_100 : i32 to index
        %swap3A_711 = arith.constant 688 : index
        %swap3A_712 = tpu.vector_load %arg7[%swap3A_710, %swap3A_711] {strides = array<i32>} : memref<64x768xf32, #tpu.memory_space<vmem>>, vector<1x16xf32>,
        %swap3A_713 = vector.shape_cast %swap3A_712 : vector<1x16xf32> to vector<16xf32>
        %swap3A_714 = vector.shape_cast %add3A_709 : vector<16xf32> to vector<1x16xf32>
        tpu.vector_store %arg7[%swap3A_710, %swap3A_711], %swap3A_714 {strides = array<i32>} : memref<64x768xf32, #tpu.memory_space<vmem>>, vector<1x16xf32>,
        %get3A_715 = arith.index_cast %scan3A_100 : i32 to index
        %get3A_716 = arith.constant 704 : index
        %get3A_717 = tpu.vector_load %arg7[%get3A_715, %get3A_716] {strides = array<i32>} : memref<64x768xf32, #tpu.memory_space<vmem>>, vector<1x16xf32>,
        %get3A_718 = vector.shape_cast %get3A_717 : vector<1x16xf32> to vector<16xf32>
        %get3A_719 = arith.index_cast %scan3A_100 : i32 to index
        %get3A_720 = arith.constant 704 : index
        %get3A_721 = tpu.vector_load %arg8[%get3A_719, %get3A_720] {strides = array<i32>} : memref<64x768xf32, #tpu.memory_space<vmem>>, vector<1x16xf32>,
        %get3A_722 = vector.shape_cast %get3A_721 : vector<1x16xf32> to vector<16xf32>
        %add3A_723 = arith.addf %get3A_718, %get3A_722 : vector<16xf32>
        %swap3A_724 = arith.index_cast %scan3A_100 : i32 to index
        %swap3A_725 = arith.constant 704 : index
        %swap3A_726 = tpu.vector_load %arg7[%swap3A_724, %swap3A_725] {strides = array<i32>} : memref<64x768xf32, #tpu.memory_space<vmem>>, vector<1x16xf32>,
        %swap3A_727 = vector.shape_cast %swap3A_726 : vector<1x16xf32> to vector<16xf32>
        %swap3A_728 = vector.shape_cast %add3A_723 : vector<16xf32> to vector<1x16xf32>
        tpu.vector_store %arg7[%swap3A_724, %swap3A_725], %swap3A_728 {strides = array<i32>} : memref<64x768xf32, #tpu.memory_space<vmem>>, vector<1x16xf32>,
        %get3A_729 = arith.index_cast %scan3A_100 : i32 to index
        %get3A_730 = arith.constant 720 : index
        %get3A_731 = tpu.vector_load %arg7[%get3A_729, %get3A_730] {strides = array<i32>} : memref<64x768xf32, #tpu.memory_space<vmem>>, vector<1x16xf32>,
        %get3A_732 = vector.shape_cast %get3A_731 : vector<1x16xf32> to vector<16xf32>
        %get3A_733 = arith.index_cast %scan3A_100 : i32 to index
        %get3A_734 = arith.constant 720 : index
        %get3A_735 = tpu.vector_load %arg8[%get3A_733, %get3A_734] {strides = array<i32>} : memref<64x768xf32, #tpu.memory_space<vmem>>, vector<1x16xf32>,
        %get3A_736 = vector.shape_cast %get3A_735 : vector<1x16xf32> to vector<16xf32>
        %add3A_737 = arith.addf %get3A_732, %get3A_736 : vector<16xf32>
        %swap3A_738 = arith.index_cast %scan3A_100 : i32 to index
        %swap3A_739 = arith.constant 720 : index
        %swap3A_740 = tpu.vector_load %arg7[%swap3A_738, %swap3A_739] {strides = array<i32>} : memref<64x768xf32, #tpu.memory_space<vmem>>, vector<1x16xf32>,
        %swap3A_741 = vector.shape_cast %swap3A_740 : vector<1x16xf32> to vector<16xf32>
        %swap3A_742 = vector.shape_cast %add3A_737 : vector<16xf32> to vector<1x16xf32>
        tpu.vector_store %arg7[%swap3A_738, %swap3A_739], %swap3A_742 {strides = array<i32>} : memref<64x768xf32, #tpu.memory_space<vmem>>, vector<1x16xf32>,
        %get3A_743 = arith.index_cast %scan3A_100 : i32 to index
        %get3A_744 = arith.constant 736 : index
        %get3A_745 = tpu.vector_load %arg7[%get3A_743, %get3A_744] {strides = array<i32>} : memref<64x768xf32, #tpu.memory_space<vmem>>, vector<1x16xf32>,
        %get3A_746 = vector.shape_cast %get3A_745 : vector<1x16xf32> to vector<16xf32>
        %get3A_747 = arith.index_cast %scan3A_100 : i32 to index
        %get3A_748 = arith.constant 736 : index
        %get3A_749 = tpu.vector_load %arg8[%get3A_747, %get3A_748] {strides = array<i32>} : memref<64x768xf32, #tpu.memory_space<vmem>>, vector<1x16xf32>,
        %get3A_750 = vector.shape_cast %get3A_749 : vector<1x16xf32> to vector<16xf32>
        %add3A_751 = arith.addf %get3A_746, %get3A_750 : vector<16xf32>
        %swap3A_752 = arith.index_cast %scan3A_100 : i32 to index
        %swap3A_753 = arith.constant 736 : index
        %swap3A_754 = tpu.vector_load %arg7[%swap3A_752, %swap3A_753] {strides = array<i32>} : memref<64x768xf32, #tpu.memory_space<vmem>>, vector<1x16xf32>,
        %swap3A_755 = vector.shape_cast %swap3A_754 : vector<1x16xf32> to vector<16xf32>
        %swap3A_756 = vector.shape_cast %add3A_751 : vector<16xf32> to vector<1x16xf32>
        tpu.vector_store %arg7[%swap3A_752, %swap3A_753], %swap3A_756 {strides = array<i32>} : memref<64x768xf32, #tpu.memory_space<vmem>>, vector<1x16xf32>,
        %get3A_757 = arith.index_cast %scan3A_100 : i32 to index
        %get3A_758 = arith.constant 752 : index
        %get3A_759 = tpu.vector_load %arg7[%get3A_757, %get3A_758] {strides = array<i32>} : memref<64x768xf32, #tpu.memory_space<vmem>>, vector<1x16xf32>,
        %get3A_760 = vector.shape_cast %get3A_759 : vector<1x16xf32> to vector<16xf32>
        %get3A_761 = arith.index_cast %scan3A_100 : i32 to index
        %get3A_762 = arith.constant 752 : index
        %get3A_763 = tpu.vector_load %arg8[%get3A_761, %get3A_762] {strides = array<i32>} : memref<64x768xf32, #tpu.memory_space<vmem>>, vector<1x16xf32>,
        %get3A_764 = vector.shape_cast %get3A_763 : vector<1x16xf32> to vector<16xf32>
        %add3A_765 = arith.addf %get3A_760, %get3A_764 : vector<16xf32>
        %swap3A_766 = arith.index_cast %scan3A_100 : i32 to index
        %swap3A_767 = arith.constant 752 : index
        %swap3A_768 = tpu.vector_load %arg7[%swap3A_766, %swap3A_767] {strides = array<i32>} : memref<64x768xf32, #tpu.memory_space<vmem>>, vector<1x16xf32>,
        %swap3A_769 = vector.shape_cast %swap3A_768 : vector<1x16xf32> to vector<16xf32>
        %swap3A_770 = vector.shape_cast %add3A_765 : vector<16xf32> to vector<1x16xf32>
        tpu.vector_store %arg7[%swap3A_766, %swap3A_767], %swap3A_770 {strides = array<i32>} : memref<64x768xf32, #tpu.memory_space<vmem>>, vector<1x16xf32>,
      }
      %scan3A_95 = arith.constant 64 : i32
      %dma_start3A_96 = arith.constant 0 : i32
      %dma_start3A_97 = tpu.memref_slice %arg5[%add3A_77, %dma_start3A_96] : memref<8192x768xf32, #tpu.memory_space<hbm>> -> memref<64x768xf32, #tpu.memory_space<hbm>>
      %dma_start3A_98 = arith.constant 0 : i32
      %dma_start3A_99 = tpu.memref_slice %arg5[%add3A_77, %dma_start3A_98] : memref<8192x768xf32, #tpu.memory_space<hbm>> -> memref<64x768xf32, #tpu.memory_space<hbm>>
      tpu.enqueue_dma source(%arg7 : memref<64x768xf32, #tpu.memory_space<vmem>>) target(%dma_start3A_99 : memref<64x768xf32, #tpu.memory_space<hbm>>) target_semaphore(%arg12 : memref<!tpu.dma_semaphore, #tpu.memory_space<semaphore_mem>>)
    }
    %scan3A_69 = arith.constant 4 : i32
    %dma_wait3A_70 = arith.constant 0 : i32
    %dma_wait3A_71 = tpu.memref_slice %arg5[%mul3A_2, %dma_wait3A_70] : memref<8192x768xf32, #tpu.memory_space<hbm>> -> memref<64x768xf32, #tpu.memory_space<hbm>>
    %dma_wait3A_72 = arith.constant 0 : i32
    %dma_wait3A_73 = tpu.memref_slice %arg5[%mul3A_2, %dma_wait3A_72] : memref<8192x768xf32, #tpu.memory_space<hbm>> -> memref<64x768xf32, #tpu.memory_space<hbm>>
    tpu.wait_dma2 semaphore(%arg12 : memref<!tpu.dma_semaphore, #tpu.memory_space<semaphore_mem>>) src(%arg7 : memref<64x768xf32, #tpu.memory_space<vmem>>) dst(%dma_wait3A_73 : memref<64x768xf32, #tpu.memory_space<hbm>>)
    return
  }
}

</mosaic_0001>

<sc_bundles>
// kernel: kernel.3.cloned.1.call-start
scs
__scs_entry_jumppad:
0x0: {  	(pc) =	sbr.rel $0x88, $3  }
0x1: {  	(tag) =	ssettag $0x0;
	lr =	simm.s32 $0x1  }
0x2: {  	[smem:$0x3F9E] =	sst lr;
	_ =	strace $0xD0000000  }
0x3: {  	_ = 	snop  }
0x4: {  	_ = 	snop  }
0x5: {  	_ = 	snop  }
0x6: {  	_ = 	snop  }
0x7: {  	_ = 	snop  }
__scs_overlays_trampoline_lowered:
0x8: {  	[smem:$0x3FAD] =	sst s0  }
0x9: {  	[smem:$0x3FAE] =	sst s1  }
0xa: {  	[smem:$0x3FAF] =	sst s2  }
0xb: {  	[smem:$0x3FB0] =	sst s3  }
0xc: {  	[smem:$0x3FB1] =	sst s4  }
0xd: {  	[smem:$0x3FB2] =	sst s5  }
0xe: {  	[smem:$0x3FB3] =	sst s6  }
0xf: {  	[smem:$0x3FB4] =	sst s7  }
0x10: {  	[smem:$0x3FB5] =	sst s8  }
0x11: {  	[smem:$0x3FB6] =	sst s9;
	s0 =	simm.s32 @!p0 $0x0  }
0x12: {  	s1 =	sld [smem:$0x3F9C];
	s0 =	simm.s32 @p0 $0x1  }
0x13: {  	[smem:$0x3FB7] =	sst s0;
	s0 =	simm.s32 @!p1 $0x0  }
0x14: {  	s2 =	sld [smem:$0x3F9B];
	s0 =	simm.s32 @p1 $0x1  }
0x15: {  	[smem:$0x3FB8] =	sst s0;
	s0 =	simm.s32 @!p2 $0x0  }
0x16: {  	s3 =	sld [smem:$0x3FDB];
	s0 =	simm.s32 @p2 $0x1  }
0x17: {  	s4 =	simm.s32 $0x1BF5;
	[smem:$0x3FBA] =	sst s0  }
0x18: {  	s0 =	sld [smem:$0x3F9D];
	_ =	swait.ge [sflag:s4], $0x0  }
0x19: {  	s7 =	sld [smem:$0x3F9E]  }
0x1a: {  	s8 =	sadd.s32 $0xFFFFE003, lr  }
0x1b: {  	s9 =	sadd.s32 $0xFFFFFEF7, lr;
	s5 =	simm.s32 $0xFFFFFFFF;
	p2 =	slt.u32 s8, $0xFFFFF086  }
0x1c: {  	p1 =	slt.u32 s9, $0xF7A;
	s5 =	simm.s32 @!p2 $0x0  }
0x1d: {  	s5 =	simm.s32 @p1 $0x1;
	p0 =	seq.s32 s7, s2  }
0x1e: {  	s7 =	smul.u32 @!p0 $0xF7A, s2;
	p2 =	seq.s32 @!p0 s5, $0x0  }
0x1f: {  	s9 =	smul.u32 $0xF7A, s1;
	s8 =	simm.s32 @!p0 $0x1BF5;
	p2 =	por !p2, p0  }
0x20: {  	[sflag:s8] =	ssyncset.s32 @!p0 $0xFFFFF086;
	s6 =	sadd.s32 @!p0 s3, s7;
	s7 =	simm.s32 @!p0 $0x108  }
0x21: {  	s3 =	sadd.s32 s3, s9;
	s6 =	sadd.s32 @!p0 $0x88, s6;
	s7 =	simm.s32 @p2 $0x1082  }
0x22: {  	[simem:s7], [sflag:s8] =	dma.local @!p0 [hbm:s6], $0xF7A  }
0x23: {  	s9 =	sor.u32 $0xD0000000, s2;
	s6 =	simm.s32 $0x108;
	_ =	swait.ge @!p0 [sflag:s8], $0x0  }
0x24: {  	s3 =	sadd.s32 $0x88, s3;
	s6 =	simm.s32 @!p1 $0x1082;
	[sflag:s4] =	ssyncset.s32 $0xFFFFF086  }
0x25: {  	[simem:s6], [sflag:s4] =	dma.local [hbm:s3], $0xF7A  }
0x26: {  	[smem:$0x3F9E] =	sst s1;
	(tag) =	ssettag s2;
	_ =	strace s9  }
0x27: {  	s1 =	sld [smem:$0x3FAE]  }
0x28: {  	s2 =	sld [smem:$0x3FAF]  }
0x29: {  	s4 =	sld [smem:$0x3FB1]  }
0x2a: {  	p0 =	seq.s32 s5, $0x0;
	s5 =	sld [smem:$0x3FB2]  }
0x2b: {  	s6 =	sld [smem:$0x3FB3]  }
0x2c: {  	s7 =	sld [smem:$0x3FB4]  }
0x2d: {  	s3 =	simm.s32 $0x108;
	s8 =	sld [smem:$0x3FB5]  }
0x2e: {  	s3 =	simm.s32 @!p0 $0x1082;
	s9 =	sld [smem:$0x3FB6]  }
0x2f: {  	lr =	sadd.s32 s0, s3;
	s0 =	sld [smem:$0x3FAD]  }
0x30: {  	s3 =	sld [smem:$0x3FB0]  }
0x31: {  	[smem:$0x3FB9] =	sst s10  }
0x32: {  	s10 =	sld [smem:$0x3FB7];
	_ =	sdelay $0x3  }
0x33: {  	p0 =	seq.s32 s10, $0x1;
	s10 =	sld [smem:$0x3FB9];
	_ =	sdelay $0x3  }
0x34: {  	[smem:$0x3FB9] =	sst s10  }
0x35: {  	s10 =	sld [smem:$0x3FB8];
	_ =	sdelay $0x3  }
0x36: {  	p1 =	seq.s32 s10, $0x1;
	s10 =	sld [smem:$0x3FB9];
	_ =	sdelay $0x3  }
0x37: {  	[smem:$0x3FB9] =	sst s10  }
0x38: {  	s10 =	sld [smem:$0x3FBA]  }
0x39: {  	_ = 	snop;
	(pc) =	sbr.ind lr, $3  }
0x3a: {  	_ = 	snop  }
0x3b: {  	_ = 	snop  }
0x3c: {  	p2 =	seq.s32 s10, $0x1;
	s10 =	sld [smem:$0x3FB9]  }
0x3d: {  	_ =	shalt  }
0x3e: {  	_ =	shalt  }
0x3f: {  	_ =	shalt  }
0x40: {  	_ =	shalt  }
0x41: {  	_ =	shalt  }
0x42: {  	_ =	shalt  }
0x43: {  	_ =	shalt  }
0x44: {  	_ =	shalt  }
0x45: {  	_ =	shalt  }
0x46: {  	_ =	shalt  }
0x47: {  	_ =	shalt  }
0x48: {  	_ =	shalt  }
0x49: {  	_ =	shalt  }
0x4a: {  	_ =	shalt  }
0x4b: {  	_ =	shalt  }
0x4c: {  	_ =	shalt  }
0x4d: {  	_ =	shalt  }
0x4e: {  	_ =	shalt  }
0x4f: {  	_ =	shalt  }
0x50: {  	_ =	shalt  }
0x51: {  	_ =	shalt  }
0x52: {  	_ =	shalt  }
0x53: {  	_ =	shalt  }
0x54: {  	_ =	shalt  }
0x55: {  	_ =	shalt  }
0x56: {  	_ =	shalt  }
0x57: {  	_ =	shalt  }
0x58: {  	_ =	shalt  }
0x59: {  	_ =	shalt  }
0x5a: {  	_ =	shalt  }
0x5b: {  	_ =	shalt  }
0x5c: {  	_ =	shalt  }
0x5d: {  	_ =	shalt  }
0x5e: {  	_ =	shalt  }
0x5f: {  	_ =	shalt  }
0x60: {  	_ =	shalt  }
0x61: {  	_ =	shalt  }
0x62: {  	_ =	shalt  }
0x63: {  	_ =	shalt  }
0x64: {  	_ =	shalt  }
0x65: {  	_ =	shalt  }
0x66: {  	_ =	shalt  }
0x67: {  	_ =	shalt  }
0x68: {  	_ =	shalt  }
0x69: {  	_ =	shalt  }
0x6a: {  	_ =	shalt  }
0x6b: {  	_ =	shalt  }
0x6c: {  	_ =	shalt  }
0x6d: {  	_ =	shalt  }
0x6e: {  	_ =	shalt  }
0x6f: {  	_ =	shalt  }
0x70: {  	_ =	shalt  }
0x71: {  	_ =	shalt  }
0x72: {  	_ =	shalt  }
0x73: {  	_ =	shalt  }
0x74: {  	_ =	shalt  }
0x75: {  	_ =	shalt  }
0x76: {  	_ =	shalt  }
0x77: {  	_ =	shalt  }
0x78: {  	_ =	shalt  }
0x79: {  	_ =	shalt  }
0x7a: {  	_ =	shalt  }
0x7b: {  	_ =	shalt  }
0x7c: {  	_ =	shalt  }
0x7d: {  	_ =	shalt  }
0x7e: {  	_ =	shalt  }
0x7f: {  	_ =	shalt  }
0x80: {  	_ =	shalt  }
0x81: {  	_ =	shalt  }
0x82: {  	_ =	shalt  }
0x83: {  	_ =	shalt  }
0x84: {  	_ =	shalt  }
0x85: {  	_ =	shalt  }
0x86: {  	_ =	shalt  }
0x87: {  	_ =	shalt  }
.Lfunc_end0:
.L_simem_size_0:
called_computation_lowered:
.L_overlay_start_0:
0x88: {  	s2 =	sld [smem:$0x3FD9]  }
0x89: {  	s3 =	sld [smem:$0x3FFE];
	_ =	sdelay $0x1  }
0x8a: {  	s1 =	srdreg.scid  }
0x8b: {  	s0 =	sand.u32 $0x1, s1  }
0x8c: {  	s17 =	sshll.u32 s0, $0xA;
	s2 =	sadd.s32 s3, s2  }
0x8d: {  	s2 =	sadd.s32 s2, s17  }
0x8e: {  	[smem:$0x3FC5] =	sst s2  }
0x8f: {  	_ = 	snop  }
0x90: {  	s2 =	sld [smem:$0x3FC8]  }
0x91: {  	s18 =	sld [smem:$0x3FC7]  }
0x92: {  	s4 =	sld [smem:$0x3FD0];
	(tm) =	ssettm $0x1  }
0x93: {  	s5 =	sld [smem:$0x3FFB];
	_ =	sdelay $0x3  }
0x94: {  	_ =	strace s5  }
0x95: {  	s5 =	sld [smem:$0x3FFC];
	_ =	sdelay $0x3  }
0x96: {  	_ =	strace s5  }
0x97: {  	s5 =	sld [smem:$0x3FFD];
	_ =	sdelay $0x3  }
0x98: {  	_ =	strace s5  }
0x99: {  	_ =	strace $0x8FFFFFFF  }
0x9a: {  	s19 =	sld [smem:$0x3FDB];
	_ =	sdelay $0x1  }
0x9b: {  	s6 =	simm.s32 $_scs_section_size  }
0x9c: {  	s7 =	simm.s32 $_size__tile_overlayer_lowered;
	s8 =	simm.s32 $_tile_overlayer_lowered  }
0x9d: {  	s22 =	simm.s32 $0x1BFF;
	s21 =	sshll.u32 s8, $0x1;
	s5 =	sadd.s32 s6, s19  }
0x9e: {  	s9 =	simm.s32 $0x0;
	s20 =	sshll.u32 s7, $0x1;
	s7 =	sadd.s32 s21, s5  }
0x9f: {  	[timem:s9], [sflag:s22] =	dma.local [hbm:s7], s20  }
0xa0: {  	_ =	swait.ge [sflag:s22], s20  }
0xa1: {  	s6 =	ssub.s32 $0x0, s20;
	[sflag:s22] =	ssyncset.done $0x0  }
0xa2: {  	[sflag:s22] =	ssyncadd.s32 s6;
	_ =	sdelay $0x1  }
0xa3: {  	s23 =	simm.s32 $0x1B8B  }
0xa4: {  	_ =	swait.ge [sflag:s23], $0x1  }
0xa5: {  	[sflag:s23] =	ssyncset.done $0x0  }
0xa6: {  	s25 =	simm.s32 $0x1B8E;
	s24 =	sld [smem:$0x3FFE];
	[sflag:s23] =	ssyncadd.s32 $0xFFFFFFFF  }
0xa7: {  	s26 =	simm.s32 $execute0_lowered;
	[smem:$0x3FD2] =	sst s25  }
0xa8: {  	s7 =	sshll.u32 s26, $0x1;
	_ =	strace $0x80000046;
	[dreg:$0x1] =	wrdreg $0xFFFFFFFF  }
0xa9: {  	s28 =	simm.s32 $_size_execute0_lowered;
	s5 =	sadd.s32 s5, s7;
	[dreg:$0x0] =	wrdreg $0x0  }
0xaa: {  	s7 =	sshll.u32 s28, $0x1;
	[dreg:$0x2] =	wrdreg s5  }
0xab: {  	[dreg:$0x3] =	wrdreg s7  }
0xac: {  	[dreg:$0x4] =	wrdreg $0xC0  }
0xad: {  	_ =	task [dreg:s9], $0x5FFFF  }
0xae: {  	[dreg:$0x1] =	wrdreg $0xFFFFFFFF  }
0xaf: {  	[dreg:$0x0] =	wrdreg $0x60  }
0xb0: {  	[dreg:$0x2] =	wrdreg s24  }
0xb1: {  	[dreg:$0x3] =	wrdreg s2  }
0xb2: {  	[dreg:$0x4] =	wrdreg s18  }
0xb3: {  	[dreg:$0x5] =	wrdreg s4  }
0xb4: {  	[dreg:$0x6] =	wrdreg $0x9  }
0xb5: {  	_ =	task.clear_ibuf [dreg:s9], $0x7FFFF;
	_ =	strace $0x90000046  }
0xb6: {  	s29 =	simm.s32 $0x9;
	_ =	strace $0x80000048  }
0xb7: {  	_ =	swait.ge [sflag:s29], $0x1  }
0xb8: {  	[sflag:s29] =	ssyncadd.s32 $0xFFFFFFFF  }
0xb9: {  	_ =	strace $0x90000048  }
0xba: {  	_ =	sfence  }
0xbb: {  	s30 =	sld [smem:$0x0];
	_ =	sdelay $0x2  }
0xbc: {  	s31 =	sshll.u32 s1, $0xD;
	s1 =	sshrl.u32 s1, $0x2  }
0xbd: {  	s3 =	sand.u32 $0x4000, s31;
	s1 =	sadd.s32 s1, s30  }
0xbe: {  	s0 =	sor.u32 s3, s0;
	s1 =	sshll.u32 s1, $0x11  }
0xbf: {  	s0 =	sor.u32 s1, s0  }
0xc0: {  	s0 =	sadd.s32 $0x8F2B, s0  }
0xc1: {  	[sflag:s0] =	ssyncadd.remote.s32 $0x1  }
0xc2: {  	_ =	sfence.sel $0xFFFF  }
0xc3: {  	[dreg:$0x0] =	wrdreg $0xFFFFFFFF;
	(pc) =	sbr.abs _section_cstart, $3  }
0xc4: {  	[dreg:$0x1] =	wrdreg $0xFFFFFFFF  }
0xc5: {  	_ =	task.clear_ibuf [dreg:s9], $0x2FFFF;
	_ =	strace $0x9FFFFFFF  }
0xc6: {  	(tm) =	ssettm $0x7FFFFFFF  }
0xc7: {  	_ =	shalt  }
tec
execute0_lowered:
.L_overlay_start_1:
0x0: {  	(tag) =	ssettag $0x1  }
0x1: {  	s0 =	rddreg [dreg:$0x0];
	s2 =	srdreg.scid  }
0x2: {  	s1 =	rddreg [dreg:$0x1];
	s4 =	stileid.u32  }
0x3: {  	s3 =	rddreg [dreg:$0x2];
	s20 =	simm.s32 $0x100;
	s28 =	simm.s32 $0x3900  }
0x4: {  	s29 =	simm.s32 $0x4100;
	s30 =	simm.s32 $0x4900;
	s31 =	simm.s32 $0x5100  }
0x5: {  	s14 =	simm.s32 $0x6900;
	s15 =	simm.s32 $0x7100;
	s16 =	simm.s32 $0x7900  }
0x6: {  	s17 =	simm.s32 $0x8100;
	s8 =	simm.s32 $0x9900;
	s9 =	simm.s32 $0xA100  }
0x7: {  	s10 =	simm.s32 $0xA900;
	s13 =	simm.s32 $0xB100;
	s19 =	simm.s32 $0xB900  }
0x8: {  	s18 =	simm.s32 $0x3;
	s2 =	sand.u32 $0x1, s2;
	s4 =	sshll.u32 s4, $0x7  }
0x9: {  	s11 =	sadd.s32 $0x100, s1;
	s5 =	sshll.u32 s2, $0x6;
	s2 =	ssub.s32 $0x2, s2  }
0xa: {  	s12 =	sadd.s32 $0x200, s1;
	s4 =	sor.u32 s5, s4;
	s22 =	sshrl.u32 s2, $0x1  }
0xb: {  	s5 =	simm.s32 $0x0;
	s6 =	sshrl.u32 s4, $0x3;
	s2 =	ssub.s32 s2, s22  }
0xc: {  	[smem:$0x7FF] =	sst s5;
	s0 =	sadd.s32 s6, s0;
	s26 =	smax.u32 s2, $0x1  }
0xd: {  	_ =	strace $0x80000047;
	s23 =	sadd.s32 $0x400, s0;
	[dreg:$0xa] =	wrdreg s26  }
0xe: {  	s22 =	simm.s32 $0x0;
	s24 =	sadd.s32 $0x500, s0;
	[dreg:$0x6] =	wrdreg s23  }
0xf: {  	s7 =	smul.u32 $0x300, s6;
	s25 =	sadd.s32 $0x600, s0;
	[dreg:$0x7] =	wrdreg s24  }
0x10: {  	v2 =	vlaneseq.u32;
	s2 =	simm.s32 $0x5900;
	s0 =	sadd.s32 $0x700, s0;
	[dreg:$0x8] =	wrdreg s25  }
0x11: {  	vm0 =	vmmov $0xffff;
	v1 =	vshrl.u32 v2, $0x3;
	s6 =	simm.s32 $0x8900;
	s3 =	sadd.s32 s3, s7;
	[dreg:$0x9] =	wrdreg s0  }
0x12: {  	v0 =	vand.u32 $0x7, v2;
	v2 =	vor.u32 $0x8, v2;
	v1 =	vmul.u32 $0x8, v1;
	s0 =	simm.s32 $0x6100;
	s7 =	simm.s32 $0x9100;
	[dreg:$0x5] =	wrdreg s3  }
.LBB2_1:
0x13: {  	[dreg:$0xb] =	wrdreg s22  }
0x14: {  	s3 =	rddreg [dreg:$0x5];
	s21 =	simm.s32 $0xC100  }
0x15: {  	[tilespmem:s21], [sflag:$0x2] =	stream.linear.gather [hbm4b:s3+s5], $0xC000, $0x38;
	[tilespmem:$0x18100] =	vst v63  }
0x16: {  	s24 =	rddreg [dreg:$0x6]  }
0x17: {  	[tilespmem:s5], [sflag:$0x1] =	stream.linear.gather [hbm4b:s24+s5], $0x40, $0x38;
	[tilespmem:$0x18100] =	vst v63  }
0x18: {  	s25 =	rddreg [dreg:$0x7];
	s26 =	simm.s32 $0x40  }
0x19: {  	[tilespmem:s26], [sflag:$0x1] =	stream.linear.gather [hbm4b:s25+s5], $0x40, $0x38;
	[tilespmem:$0x18100] =	vst v63  }
0x1a: {  	s22 =	simm.s32 $0x80;
	s21 =	rddreg [dreg:$0x8]  }
0x1b: {  	[tilespmem:s22], [sflag:$0x1] =	stream.linear.gather [hbm4b:s21+s5], $0x40, $0x38;
	[tilespmem:$0x18100] =	vst v63  }
0x1c: {  	s23 =	rddreg [dreg:$0x9];
	s24 =	simm.s32 $0xC0;
	s25 =	simm.s32 $0x1  }
0x1d: {  	[tilespmem:s24], [sflag:$0x1] =	stream.linear.gather [hbm4b:s23+s5], $0x40, $0x38;
	[tilespmem:$0x18100] =	vst v63  }
0x1e: {  	_ =	swait.ge [sflag:s25], $0x40  }
0x1f: {  	[sflag:s25] =	ssyncset.done $0x0  }
0x20: {  	[sflag:s25] =	ssyncadd.s32 $0xFFFFFFC0  }
0x21: {  	_ =	swait.ge [sflag:s25], $0x40  }
0x22: {  	[sflag:s25] =	ssyncset.done $0x0  }
0x23: {  	[sflag:s25] =	ssyncadd.s32 $0xFFFFFFC0  }
0x24: {  	_ =	swait.ge [sflag:s25], $0x40  }
0x25: {  	[sflag:s25] =	ssyncset.done $0x0  }
0x26: {  	[sflag:s25] =	ssyncadd.s32 $0xFFFFFFC0  }
0x27: {  	_ =	swait.ge [sflag:s25], $0x40  }
0x28: {  	[sflag:s25] =	ssyncset.done $0x0  }
0x29: {  	s26 =	simm.s32 $0x2;
	[sflag:s25] =	ssyncadd.s32 $0xFFFFFFC0  }
0x2a: {  	_ =	swait.ge [sflag:s26], $0xC000  }
0x2b: {  	[sflag:s26] =	ssyncset.done $0x0  }
0x2c: {  	s3 =	simm.s32 $0x0;
	[sflag:s26] =	ssyncadd.s32 $0xFFFF4000  }
.LBB2_2:
0x2d: {  	p0 =	seq.s32 s3, $0x0  }
0x2e: {  	s21 =	simm.s32 @!p0 $0x4  }
0x2f: {  	_ =	swait.ge @!p0 [sflag:s21], $0xC000  }
0x30: {  	s22 =	sshll.u32 s3, $0x6;
	[sflag:s21] =	ssyncset.done @!p0 $0x0  }
0x31: {  	s22 =	sand.u32 $0x3FFFFFC0, s22;
	[sflag:s21] =	ssyncadd.s32 @!p0 $0xFFFF4000  }
0x32: {  	v3 =	vld [tilespmem:s22+$0x0];
	_ =	sdelay $0x4  }
0x33: {  	v4 =	vshrl.u32 v3, $0x3  }
0x34: {  	v4 =	vmul.u32 $0x30, v4  }
0x35: {  	v3 =	vand.u32 $0x7, v3  }
0x36: {  	v3 =	vor.u32 v3, v4  }
0x37: {  	v4 =	vperm.xlane v3, v0;
	_ =	sdelay $0x1  }
0x38: {  	v4 =	vadd.s32 v1, v4;
	_ =	sdelay $0x3  }
0x39: {  	s21 =	simm.s32 $0x0;
	v3 =	vperm.xlane v3, v2  }
0x3a: {  	[tilespmem:s20], [sflag:$0x3] =	stream.indirect_vreg.gather [hbm4b:s1+s21], $0x80, v4, vm0, $0xb8;
	[tilespmem:$0x18100] =	vst v63  }
0x3b: {  	s23 =	simm.s32 $0x900;
	v3 =	vadd.s32 v1, v3  }
0x3c: {  	[tilespmem:s23], [sflag:$0x3] =	stream.indirect_vreg.gather [hbm4b:s11+s21], $0x80, v4, vm0, $0xb8;
	[tilespmem:$0x18100] =	vst v63  }
0x3d: {  	s25 =	simm.s32 $0x1100  }
0x3e: {  	[tilespmem:s25], [sflag:$0x3] =	stream.indirect_vreg.gather [hbm4b:s12+s21], $0x80, v4, vm0, $0xb8;
	[tilespmem:$0x18100] =	vst v63  }
0x3f: {  	s26 =	simm.s32 $0x1900  }
0x40: {  	[tilespmem:s26], [sflag:$0x3] =	stream.indirect_vreg.gather [hbm4b:s1+s21], $0x80, v3, vm0, $0xb8;
	[tilespmem:$0x18100] =	vst v63  }
0x41: {  	s24 =	simm.s32 $0x2100  }
0x42: {  	[tilespmem:s24], [sflag:$0x3] =	stream.indirect_vreg.gather [hbm4b:s11+s21], $0x80, v3, vm0, $0xb8;
	[tilespmem:$0x18100] =	vst v63  }
0x43: {  	s25 =	simm.s32 $0x2900  }
0x44: {  	[tilespmem:s25], [sflag:$0x3] =	stream.indirect_vreg.gather [hbm4b:s12+s21], $0x80, v3, vm0, $0xb8;
	[tilespmem:$0x18100] =	vst v63  }
0x45: {  	v3 =	vld [tilespmem:s22+$0x10];
	_ =	sdelay $0x4  }
0x46: {  	v4 =	vshrl.u32 v3, $0x3  }
0x47: {  	v4 =	vmul.u32 $0x30, v4  }
0x48: {  	v3 =	vand.u32 $0x7, v3  }
0x49: {  	v3 =	vor.u32 v3, v4  }
0x4a: {  	v4 =	vperm.xlane v3, v0;
	_ =	sdelay $0x1  }
0x4b: {  	v4 =	vadd.s32 v1, v4;
	_ =	sdelay $0x3  }
0x4c: {  	s26 =	simm.s32 $0x3100;
	v3 =	vperm.xlane v3, v2  }
0x4d: {  	[tilespmem:s26], [sflag:$0x3] =	stream.indirect_vreg.gather [hbm4b:s1+s21], $0x80, v4, vm0, $0xb8;
	[tilespmem:$0x18100] =	vst v63  }
0x4e: {  	v3 =	vadd.s32 v1, v3  }
0x4f: {  	[tilespmem:s28], [sflag:$0x3] =	stream.indirect_vreg.gather [hbm4b:s11+s21], $0x80, v4, vm0, $0xb8;
	[tilespmem:$0x18100] =	vst v63  }
0x50: {  	_ = 	snop  }
0x51: {  	[tilespmem:s29], [sflag:$0x3] =	stream.indirect_vreg.gather [hbm4b:s12+s21], $0x80, v4, vm0, $0xb8;
	[tilespmem:$0x18100] =	vst v63  }
0x52: {  	_ = 	snop  }
0x53: {  	[tilespmem:s30], [sflag:$0x3] =	stream.indirect_vreg.gather [hbm4b:s1+s21], $0x80, v3, vm0, $0xb8;
	[tilespmem:$0x18100] =	vst v63  }
0x54: {  	_ = 	snop  }
0x55: {  	[tilespmem:s31], [sflag:$0x3] =	stream.indirect_vreg.gather [hbm4b:s11+s21], $0x80, v3, vm0, $0xb8;
	[tilespmem:$0x18100] =	vst v63  }
0x56: {  	_ = 	snop  }
0x57: {  	[tilespmem:s2], [sflag:$0x3] =	stream.indirect_vreg.gather [hbm4b:s12+s21], $0x80, v3, vm0, $0xb8;
	[tilespmem:$0x18100] =	vst v63  }
0x58: {  	v3 =	vld [tilespmem:s22+$0x20];
	_ =	sdelay $0x4  }
0x59: {  	v4 =	vshrl.u32 v3, $0x3  }
0x5a: {  	v4 =	vmul.u32 $0x30, v4  }
0x5b: {  	v3 =	vand.u32 $0x7, v3  }
0x5c: {  	v3 =	vor.u32 v3, v4  }
0x5d: {  	v4 =	vperm.xlane v3, v0;
	_ =	sdelay $0x1  }
0x5e: {  	v4 =	vadd.s32 v1, v4;
	_ =	sdelay $0x3  }
0x5f: {  	v3 =	vperm.xlane v3, v2  }
0x60: {  	[tilespmem:s0], [sflag:$0x3] =	stream.indirect_vreg.gather [hbm4b:s1+s21], $0x80, v4, vm0, $0xb8;
	[tilespmem:$0x18100] =	vst v63  }
0x61: {  	v3 =	vadd.s32 v1, v3  }
0x62: {  	[tilespmem:s14], [sflag:$0x3] =	stream.indirect_vreg.gather [hbm4b:s11+s21], $0x80, v4, vm0, $0xb8;
	[tilespmem:$0x18100] =	vst v63  }
0x63: {  	_ = 	snop  }
0x64: {  	[tilespmem:s15], [sflag:$0x3] =	stream.indirect_vreg.gather [hbm4b:s12+s21], $0x80, v4, vm0, $0xb8;
	[tilespmem:$0x18100] =	vst v63  }
0x65: {  	_ = 	snop  }
0x66: {  	[tilespmem:s16], [sflag:$0x3] =	stream.indirect_vreg.gather [hbm4b:s1+s21], $0x80, v3, vm0, $0xb8;
	[tilespmem:$0x18100] =	vst v63  }
0x67: {  	_ = 	snop  }
0x68: {  	[tilespmem:s17], [sflag:$0x3] =	stream.indirect_vreg.gather [hbm4b:s11+s21], $0x80, v3, vm0, $0xb8;
	[tilespmem:$0x18100] =	vst v63  }
0x69: {  	_ = 	snop  }
0x6a: {  	[tilespmem:s6], [sflag:$0x3] =	stream.indirect_vreg.gather [hbm4b:s12+s21], $0x80, v3, vm0, $0xb8;
	[tilespmem:$0x18100] =	vst v63  }
0x6b: {  	v3 =	vld [tilespmem:s22+$0x30];
	_ =	sdelay $0x4  }
0x6c: {  	v4 =	vshrl.u32 v3, $0x3  }
0x6d: {  	v4 =	vmul.u32 $0x30, v4  }
0x6e: {  	v3 =	vand.u32 $0x7, v3  }
0x6f: {  	v3 =	vor.u32 v3, v4  }
0x70: {  	v4 =	vperm.xlane v3, v0;
	_ =	sdelay $0x1  }
0x71: {  	v4 =	vadd.s32 v1, v4;
	_ =	sdelay $0x3  }
0x72: {  	v3 =	vperm.xlane v3, v2  }
0x73: {  	[tilespmem:s7], [sflag:$0x3] =	stream.indirect_vreg.gather [hbm4b:s1+s21], $0x80, v4, vm0, $0xb8;
	[tilespmem:$0x18100] =	vst v63  }
0x74: {  	v3 =	vadd.s32 v1, v3  }
0x75: {  	[tilespmem:s8], [sflag:$0x3] =	stream.indirect_vreg.gather [hbm4b:s11+s21], $0x80, v4, vm0, $0xb8;
	[tilespmem:$0x18100] =	vst v63  }
0x76: {  	_ = 	snop  }
0x77: {  	[tilespmem:s9], [sflag:$0x3] =	stream.indirect_vreg.gather [hbm4b:s12+s21], $0x80, v4, vm0, $0xb8;
	[tilespmem:$0x18100] =	vst v63  }
0x78: {  	_ = 	snop  }
0x79: {  	[tilespmem:s10], [sflag:$0x3] =	stream.indirect_vreg.gather [hbm4b:s1+s21], $0x80, v3, vm0, $0xb8;
	[tilespmem:$0x18100] =	vst v63  }
0x7a: {  	_ = 	snop  }
0x7b: {  	[tilespmem:s13], [sflag:$0x3] =	stream.indirect_vreg.gather [hbm4b:s11+s21], $0x80, v3, vm0, $0xb8;
	[tilespmem:$0x18100] =	vst v63  }
0x7c: {  	s24 =	simm.s32 $0x0  }
0x7d: {  	[tilespmem:s19], [sflag:$0x3] =	stream.indirect_vreg.gather [hbm4b:s12+s21], $0x80, v3, vm0, $0xb8;
	[tilespmem:$0x18100] =	vst v63  }
0x7e: {  	s22 =	smul.u32 $0x1800, s24;
	_ =	swait.ge [sflag:s18], $0xC000  }
0x7f: {  	s25 =	sand.u32 $0x380, s21;
	[sflag:s18] =	ssyncset.done $0x0  }
0x80: {  	s22 =	sor.u32 s25, s22;
	[sflag:s18] =	ssyncadd.s32 $0xFFFF4000  }
0x81: {  	v14 =	vld [tilespmem:s22+$0xC100]  }
0x82: {  	v15 =	vld [tilespmem:s22+$0xC110]  }
0x83: {  	v16 =	vld [tilespmem:s22+$0xC120]  }
0x84: {  	v17 =	vld [tilespmem:s22+$0xC130]  }
0x85: {  	v18 =	vld [tilespmem:s22+$0xC140]  }
0x86: {  	v19 =	vld [tilespmem:s22+$0xC150]  }
0x87: {  	v20 =	vld [tilespmem:s22+$0xC160]  }
0x88: {  	v21 =	vld [tilespmem:s22+$0xC170]  }
0x89: {  	v22 =	vld [tilespmem:s22+$0xC500]  }
0x8a: {  	v23 =	vld [tilespmem:s22+$0xC510]  }
0x8b: {  	v24 =	vld [tilespmem:s22+$0xC520]  }
0x8c: {  	v25 =	vld [tilespmem:s22+$0xC530]  }
0x8d: {  	v26 =	vld [tilespmem:s22+$0xC540]  }
0x8e: {  	v27 =	vld [tilespmem:s22+$0xC550]  }
0x8f: {  	v28 =	vld [tilespmem:s22+$0xC560]  }
0x90: {  	v29 =	vld [tilespmem:s22+$0xC570]  }
0x91: {  	v30 =	vld [tilespmem:s22+$0xC900]  }
0x92: {  	v31 =	vld [tilespmem:s22+$0xC910]  }
0x93: {  	v32 =	vld [tilespmem:s22+$0xC920]  }
0x94: {  	v33 =	vld [tilespmem:s22+$0xC930]  }
0x95: {  	v34 =	vld [tilespmem:s22+$0xC940]  }
0x96: {  	v35 =	vld [tilespmem:s22+$0xC950]  }
0x97: {  	v36 =	vld [tilespmem:s22+$0xC960]  }
0x98: {  	v37 =	vld [tilespmem:s22+$0xC970]  }
0x99: {  	v38 =	vld [tilespmem:s22+$0xCD00]  }
0x9a: {  	v39 =	vld [tilespmem:s22+$0xCD10]  }
0x9b: {  	v40 =	vld [tilespmem:s22+$0xCD20]  }
0x9c: {  	v41 =	vld [tilespmem:s22+$0xCD30]  }
0x9d: {  	v42 =	vld [tilespmem:s22+$0xCD40]  }
0x9e: {  	v43 =	vld [tilespmem:s22+$0xCD50]  }
0x9f: {  	v44 =	vld [tilespmem:s22+$0xCD60]  }
0xa0: {  	v45 =	vld [tilespmem:s22+$0xCD70]  }
0xa1: {  	v46 =	vld [tilespmem:s22+$0xD100]  }
0xa2: {  	v47 =	vld [tilespmem:s22+$0xD110]  }
0xa3: {  	v48 =	vld [tilespmem:s22+$0xD120]  }
0xa4: {  	v49 =	vld [tilespmem:s22+$0xD130]  }
0xa5: {  	v50 =	vld [tilespmem:s22+$0xD140]  }
0xa6: {  	v12 =	vld [tilespmem:s22+$0xD150]  }
0xa7: {  	v13 =	vld [tilespmem:s22+$0xD160]  }
0xa8: {  	v11 =	vld [tilespmem:s22+$0xD170]  }
0xa9: {  	v10 =	vld [tilespmem:s22+$0xD500]  }
0xaa: {  	v9 =	vld [tilespmem:s22+$0xD510]  }
0xab: {  	v8 =	vld [tilespmem:s22+$0xD520]  }
0xac: {  	v7 =	vld [tilespmem:s22+$0xD530]  }
0xad: {  	v6 =	vld [tilespmem:s22+$0xD540]  }
0xae: {  	v51 =	vld [tilespmem:s22+$0x100]  }
0xaf: {  	v52 =	vld [tilespmem:s22+$0x110]  }
0xb0: {  	v53 =	vld [tilespmem:s22+$0x120]  }
0xb1: {  	v54 =	vld [tilespmem:s22+$0x130]  }
0xb2: {  	v55 =	vld [tilespmem:s22+$0x140]  }
0xb3: {  	v61 =	vld [tilespmem:s22+$0x150];
	v14 =	vadd.f32 v14, v51  }
0xb4: {  	v62 =	vld [tilespmem:s22+$0x160];
	v15 =	vadd.f32 v15, v52  }
0xb5: {  	[tilespmem:s22+$0x100] =	vst v14;
	v14 =	vadd.f32 v16, v53;
	v16 =	vld [tilespmem:s22+$0x170]  }
0xb6: {  	[tilespmem:s22+$0x110] =	vst v15;
	v15 =	vadd.f32 v17, v54;
	v17 =	vld [tilespmem:s22+$0x500]  }
0xb7: {  	[tilespmem:s22+$0x120] =	vst v14;
	v14 =	vadd.f32 v18, v55;
	v18 =	vld [tilespmem:s22+$0x510]  }
0xb8: {  	[tilespmem:s22+$0x130] =	vst v15;
	v15 =	vadd.f32 v19, v61;
	v19 =	vld [tilespmem:s22+$0x520]  }
0xb9: {  	v5 =	vld [tilespmem:s22+$0xD550];
	[tilespmem:s22+$0x140] =	vst v14;
	v14 =	vadd.f32 v20, v62  }
0xba: {  	[tilespmem:s22+$0x150] =	vst v15;
	v20 =	vld [tilespmem:s22+$0x570];
	v15 =	vadd.f32 v21, v16  }
0xbb: {  	v16 =	vld [tilespmem:s22+$0x530];
	[tilespmem:s22+$0x160] =	vst v14;
	v14 =	vadd.f32 v22, v17  }
0xbc: {  	v17 =	vld [tilespmem:s22+$0x540];
	[tilespmem:s22+$0x170] =	vst v15  }
0xbd: {  	v15 =	vadd.f32 v23, v18;
	v18 =	vadd.f32 v24, v19;
	[tilespmem:s22+$0x500] =	vst v14;
	v14 =	vld [tilespmem:s22+$0x550]  }
0xbe: {  	v19 =	vld [tilespmem:s22+$0x560]  }
0xbf: {  	[tilespmem:s22+$0x520] =	vst v18;
	v18 =	vld [tilespmem:s22+$0x910];
	v20 =	vadd.f32 v29, v20  }
0xc0: {  	[tilespmem:s22+$0x510] =	vst v15;
	v15 =	vld [tilespmem:s22+$0x900];
	v16 =	vadd.f32 v25, v16  }
0xc1: {  	v4 =	vld [tilespmem:s22+$0xD560];
	v17 =	vadd.f32 v26, v17;
	[tilespmem:s22+$0x570] =	vst v20  }
0xc2: {  	[tilespmem:s22+$0x530] =	vst v16;
	v16 =	vld [tilespmem:s22+$0x920];
	v14 =	vadd.f32 v27, v14  }
0xc3: {  	v19 =	vadd.f32 v28, v19;
	[tilespmem:s22+$0x540] =	vst v17;
	v17 =	vld [tilespmem:s22+$0x930]  }
0xc4: {  	v18 =	vadd.f32 v31, v18;
	[tilespmem:s22+$0x550] =	vst v14;
	v14 =	vld [tilespmem:s22+$0x940]  }
0xc5: {  	[tilespmem:s22+$0x560] =	vst v19;
	v15 =	vadd.f32 v30, v15;
	v19 =	vld [tilespmem:s22+$0x950]  }
0xc6: {  	[tilespmem:s22+$0x910] =	vst v18;
	v18 =	vld [tilespmem:s22+$0x960]  }
0xc7: {  	v20 =	vld [tilespmem:s22+$0x970];
	[tilespmem:s22+$0x900] =	vst v15;
	v15 =	vadd.f32 v32, v16  }
0xc8: {  	v16 =	vld [tilespmem:s22+$0xD00];
	v17 =	vadd.f32 v33, v17  }
0xc9: {  	[tilespmem:s22+$0x920] =	vst v15;
	v15 =	vld [tilespmem:s22+$0xD10];
	v14 =	vadd.f32 v34, v14  }
0xca: {  	v19 =	vadd.f32 v35, v19;
	[tilespmem:s22+$0x930] =	vst v17;
	v17 =	vld [tilespmem:s22+$0xD20]  }
0xcb: {  	v18 =	vadd.f32 v36, v18;
	[tilespmem:s22+$0x940] =	vst v14;
	v14 =	vld [tilespmem:s22+$0xD30]  }
0xcc: {  	v20 =	vadd.f32 v37, v20;
	[tilespmem:s22+$0x950] =	vst v19;
	v19 =	vld [tilespmem:s22+$0xD40]  }
0xcd: {  	v16 =	vadd.f32 v38, v16;
	[tilespmem:s22+$0x960] =	vst v18;
	v18 =	vld [tilespmem:s22+$0xD50]  }
0xce: {  	[tilespmem:s22+$0x970] =	vst v20;
	v20 =	vld [tilespmem:s22+$0xD70];
	v15 =	vadd.f32 v39, v15  }
0xcf: {  	[tilespmem:s22+$0xD00] =	vst v16;
	v16 =	vadd.f32 v40, v17;
	v17 =	vld [tilespmem:s22+$0xD60]  }
0xd0: {  	[tilespmem:s22+$0xD10] =	vst v15;
	v15 =	vld [tilespmem:s22+$0x1100];
	v14 =	vadd.f32 v41, v14  }
0xd1: {  	v19 =	vadd.f32 v42, v19;
	[tilespmem:s22+$0xD20] =	vst v16;
	v16 =	vld [tilespmem:s22+$0x1110]  }
0xd2: {  	v18 =	vadd.f32 v43, v18;
	[tilespmem:s22+$0xD30] =	vst v14;
	v14 =	vld [tilespmem:s22+$0x1120]  }
0xd3: {  	v20 =	vadd.f32 v45, v20;
	[tilespmem:s22+$0xD40] =	vst v19;
	v19 =	vld [tilespmem:s22+$0x1130]  }
0xd4: {  	v17 =	vadd.f32 v44, v17;
	[tilespmem:s22+$0xD50] =	vst v18;
	v18 =	vld [tilespmem:s22+$0x1140]  }
0xd5: {  	v3 =	vld [tilespmem:s22+$0xD570];
	[tilespmem:s22+$0xD70] =	vst v20;
	v15 =	vadd.f32 v46, v15  }
0xd6: {  	v63 =	vld [tilespmem:s22+$0x1150];
	[tilespmem:s22+$0xD60] =	vst v17;
	v16 =	vadd.f32 v47, v16  }
0xd7: {  	v20 =	vld [tilespmem:s22+$0x1160];
	[tilespmem:s22+$0x1100] =	vst v15;
	v14 =	vadd.f32 v48, v14  }
0xd8: {  	v17 =	vld [tilespmem:s22+$0x1170];
	[tilespmem:s22+$0x1110] =	vst v16;
	v16 =	vadd.f32 v49, v19  }
0xd9: {  	v15 =	vld [tilespmem:s22+$0x1500];
	v18 =	vadd.f32 v50, v18;
	[tilespmem:s22+$0x1120] =	vst v14  }
0xda: {  	v14 =	vld [tilespmem:s22+$0x1510];
	[tilespmem:s22+$0x1130] =	vst v16  }
0xdb: {  	s26 =	sshll.u32 s3, $0xB;
	v16 =	vld [tilespmem:s22+$0x1520];
	[tilespmem:s22+$0x1140] =	vst v18;
	v18 =	vadd.f32 v12, v63  }
0xdc: {  	s23 =	sor.u32 s4, s26;
	s24 =	simm.s32 $0x1;
	v13 =	vadd.f32 v13, v20;
	v12 =	vld [tilespmem:s22+$0x1530]  }
.LBB2_3:
0xdd: {  	s25 =	sshrl.u32 s24, $0x3;
	p0 =	sne.s32 s24, $0x3F;
	[tilespmem:s22+$0x1150] =	vst v18;
	v11 =	vadd.f32 v11, v17;
	v17 =	vld [tilespmem:s22+$0x1540]  }
0xde: {  	s21 =	sadd.s32 $0x80, s21;
	s25 =	smul.u32 $0x1800, s25;
	[tilespmem:s22+$0x1160] =	vst v13;
	v10 =	vadd.f32 v10, v15;
	v13 =	vld [tilespmem:s22+$0x1550]  }
0xdf: {  	s26 =	sand.u32 $0x380, s21;
	[tilespmem:s22+$0x1170] =	vst v11;
	v9 =	vadd.f32 v9, v14;
	v11 =	vld [tilespmem:s22+$0x1560]  }
0xe0: {  	s25 =	sor.u32 s26, s25;
	[tilespmem:s22+$0x1500] =	vst v10;
	v8 =	vadd.f32 v8, v16;
	v10 =	vld [tilespmem:s22+$0x1570]  }
0xe1: {  	v39 =	vld [tilespmem:s25+$0xC100];
	[tilespmem:s22+$0x1510] =	vst v9;
	v7 =	vadd.f32 v7, v12  }
0xe2: {  	v40 =	vld [tilespmem:s25+$0xC110];
	[tilespmem:s22+$0x1520] =	vst v8;
	v6 =	vadd.f32 v6, v17  }
0xe3: {  	v41 =	vld [tilespmem:s25+$0xC120];
	[tilespmem:s22+$0x1530] =	vst v7;
	v5 =	vadd.f32 v5, v13  }
0xe4: {  	v42 =	vld [tilespmem:s25+$0xC130];
	[tilespmem:s22+$0x1540] =	vst v6;
	v4 =	vadd.f32 v4, v11  }
0xe5: {  	v43 =	vld [tilespmem:s25+$0xC140];
	[tilespmem:s22+$0x1550] =	vst v5;
	v3 =	vadd.f32 v3, v10  }
0xe6: {  	v44 =	vld [tilespmem:s25+$0xC150];
	[tilespmem:s22+$0x1560] =	vst v4  }
0xe7: {  	v45 =	vld [tilespmem:s25+$0xC160];
	[tilespmem:s22+$0x1570] =	vst v3;
	s22 =	smov.u32 s25  }
0xe8: {  	v46 =	vld [tilespmem:s22+$0xC170]  }
0xe9: {  	v47 =	vld [tilespmem:s22+$0xC500]  }
0xea: {  	v48 =	vld [tilespmem:s22+$0xC510]  }
0xeb: {  	v49 =	vld [tilespmem:s22+$0xC520]  }
0xec: {  	v50 =	vld [tilespmem:s22+$0xC530]  }
0xed: {  	v38 =	vld [tilespmem:s22+$0xC540]  }
0xee: {  	v37 =	vld [tilespmem:s22+$0xC550]  }
0xef: {  	v36 =	vld [tilespmem:s22+$0xC560]  }
0xf0: {  	v35 =	vld [tilespmem:s22+$0xC570]  }
0xf1: {  	v34 =	vld [tilespmem:s22+$0xC900]  }
0xf2: {  	v33 =	vld [tilespmem:s22+$0xC910]  }
0xf3: {  	v32 =	vld [tilespmem:s22+$0xC920]  }
0xf4: {  	v31 =	vld [tilespmem:s22+$0xC930]  }
0xf5: {  	v30 =	vld [tilespmem:s22+$0xC940]  }
0xf6: {  	v29 =	vld [tilespmem:s22+$0xC950]  }
0xf7: {  	v28 =	vld [tilespmem:s22+$0xC960]  }
0xf8: {  	v27 =	vld [tilespmem:s22+$0xC970]  }
0xf9: {  	v26 =	vld [tilespmem:s22+$0xCD00]  }
0xfa: {  	v25 =	vld [tilespmem:s22+$0xCD10]  }
0xfb: {  	v24 =	vld [tilespmem:s22+$0xCD20]  }
0xfc: {  	v23 =	vld [tilespmem:s22+$0xCD30]  }
0xfd: {  	v22 =	vld [tilespmem:s22+$0xCD40]  }
0xfe: {  	v21 =	vld [tilespmem:s22+$0xCD50]  }
0xff: {  	v20 =	vld [tilespmem:s22+$0xCD60]  }
0x100: {  	v19 =	vld [tilespmem:s22+$0xCD70]  }
0x101: {  	v18 =	vld [tilespmem:s22+$0xD100]  }
0x102: {  	v17 =	vld [tilespmem:s22+$0xD110]  }
0x103: {  	v16 =	vld [tilespmem:s22+$0xD120]  }
0x104: {  	v15 =	vld [tilespmem:s22+$0xD130]  }
0x105: {  	v14 =	vld [tilespmem:s22+$0xD140]  }
0x106: {  	v13 =	vld [tilespmem:s22+$0xD150]  }
0x107: {  	v12 =	vld [tilespmem:s22+$0xD160]  }
0x108: {  	v11 =	vld [tilespmem:s22+$0xD170]  }
0x109: {  	v10 =	vld [tilespmem:s22+$0xD500]  }
0x10a: {  	v9 =	vld [tilespmem:s22+$0xD510]  }
0x10b: {  	v8 =	vld [tilespmem:s22+$0xD520]  }
0x10c: {  	v7 =	vld [tilespmem:s22+$0xD530]  }
0x10d: {  	v6 =	vld [tilespmem:s22+$0xD540]  }
0x10e: {  	v5 =	vld [tilespmem:s22+$0xD550]  }
0x10f: {  	v4 =	vld [tilespmem:s22+$0xD560]  }
0x110: {  	v3 =	vld [tilespmem:s22+$0xD570]  }
0x111: {  	v51 =	vld [tilespmem:s22+$0x100]  }
0x112: {  	v52 =	vld [tilespmem:s22+$0x110]  }
0x113: {  	v53 =	vld [tilespmem:s22+$0x120]  }
0x114: {  	v54 =	vld [tilespmem:s22+$0x130]  }
0x115: {  	v55 =	vld [tilespmem:s22+$0x140]  }
0x116: {  	v39 =	vadd.f32 v39, v51;
	v51 =	vld [tilespmem:s22+$0x150]  }
0x117: {  	v40 =	vadd.f32 v40, v52;
	v52 =	vld [tilespmem:s22+$0x160]  }
0x118: {  	[tilespmem:s22+$0x100] =	vst v39;
	v39 =	vadd.f32 v41, v53;
	v41 =	vld [tilespmem:s22+$0x170]  }
0x119: {  	[tilespmem:s22+$0x110] =	vst v40;
	v40 =	vadd.f32 v42, v54;
	v42 =	vld [tilespmem:s22+$0x500]  }
0x11a: {  	[tilespmem:s22+$0x120] =	vst v39;
	v39 =	vadd.f32 v43, v55;
	v43 =	vld [tilespmem:s22+$0x510]  }
0x11b: {  	[tilespmem:s22+$0x130] =	vst v40;
	v40 =	vadd.f32 v44, v51;
	v44 =	vld [tilespmem:s22+$0x520]  }
0x11c: {  	[tilespmem:s22+$0x140] =	vst v39;
	v39 =	vadd.f32 v45, v52;
	v45 =	vld [tilespmem:s22+$0x530]  }
0x11d: {  	[tilespmem:s22+$0x150] =	vst v40;
	v40 =	vadd.f32 v46, v41;
	v41 =	vld [tilespmem:s22+$0x540]  }
0x11e: {  	[tilespmem:s22+$0x160] =	vst v39;
	v39 =	vadd.f32 v47, v42;
	v42 =	vld [tilespmem:s22+$0x550]  }
0x11f: {  	[tilespmem:s22+$0x170] =	vst v40;
	v40 =	vadd.f32 v48, v43;
	v43 =	vld [tilespmem:s22+$0x560]  }
0x120: {  	[tilespmem:s22+$0x500] =	vst v39;
	v39 =	vadd.f32 v49, v44;
	v44 =	vld [tilespmem:s22+$0x570]  }
0x121: {  	[tilespmem:s22+$0x510] =	vst v40;
	v40 =	vadd.f32 v50, v45;
	v45 =	vld [tilespmem:s22+$0x900]  }
0x122: {  	[tilespmem:s22+$0x520] =	vst v39;
	v38 =	vadd.f32 v38, v41;
	v39 =	vld [tilespmem:s22+$0x910]  }
0x123: {  	[tilespmem:s22+$0x530] =	vst v40;
	v37 =	vadd.f32 v37, v42;
	v40 =	vld [tilespmem:s22+$0x920]  }
0x124: {  	[tilespmem:s22+$0x540] =	vst v38;
	v36 =	vadd.f32 v36, v43;
	v38 =	vld [tilespmem:s22+$0x930]  }
0x125: {  	[tilespmem:s22+$0x550] =	vst v37;
	v35 =	vadd.f32 v35, v44;
	v37 =	vld [tilespmem:s22+$0x940]  }
0x126: {  	[tilespmem:s22+$0x560] =	vst v36;
	v34 =	vadd.f32 v34, v45;
	v36 =	vld [tilespmem:s22+$0x950]  }
0x127: {  	[tilespmem:s22+$0x570] =	vst v35;
	v33 =	vadd.f32 v33, v39;
	v35 =	vld [tilespmem:s22+$0x960]  }
0x128: {  	[tilespmem:s22+$0x900] =	vst v34;
	v32 =	vadd.f32 v32, v40;
	v34 =	vld [tilespmem:s22+$0x970]  }
0x129: {  	[tilespmem:s22+$0x910] =	vst v33;
	v31 =	vadd.f32 v31, v38;
	v33 =	vld [tilespmem:s22+$0xD00]  }
0x12a: {  	[tilespmem:s22+$0x920] =	vst v32;
	v30 =	vadd.f32 v30, v37;
	v32 =	vld [tilespmem:s22+$0xD10]  }
0x12b: {  	[tilespmem:s22+$0x930] =	vst v31;
	v29 =	vadd.f32 v29, v36;
	v31 =	vld [tilespmem:s22+$0xD20]  }
0x12c: {  	[tilespmem:s22+$0x940] =	vst v30;
	v28 =	vadd.f32 v28, v35;
	v30 =	vld [tilespmem:s22+$0xD30]  }
0x12d: {  	[tilespmem:s22+$0x950] =	vst v29;
	v27 =	vadd.f32 v27, v34;
	v29 =	vld [tilespmem:s22+$0xD40]  }
0x12e: {  	[tilespmem:s22+$0x960] =	vst v28;
	v26 =	vadd.f32 v26, v33;
	v28 =	vld [tilespmem:s22+$0xD50]  }
0x12f: {  	[tilespmem:s22+$0x970] =	vst v27;
	v25 =	vadd.f32 v25, v32;
	v27 =	vld [tilespmem:s22+$0xD60]  }
0x130: {  	[tilespmem:s22+$0xD00] =	vst v26;
	v24 =	vadd.f32 v24, v31;
	v26 =	vld [tilespmem:s22+$0xD70]  }
0x131: {  	[tilespmem:s22+$0xD10] =	vst v25;
	v23 =	vadd.f32 v23, v30;
	v25 =	vld [tilespmem:s22+$0x1100]  }
0x132: {  	[tilespmem:s22+$0xD20] =	vst v24;
	v22 =	vadd.f32 v22, v29;
	v24 =	vld [tilespmem:s22+$0x1110]  }
0x133: {  	[tilespmem:s22+$0xD30] =	vst v23;
	v21 =	vadd.f32 v21, v28;
	v23 =	vld [tilespmem:s22+$0x1120]  }
0x134: {  	[tilespmem:s22+$0xD40] =	vst v22;
	v20 =	vadd.f32 v20, v27;
	v22 =	vld [tilespmem:s22+$0x1130]  }
0x135: {  	[tilespmem:s22+$0xD50] =	vst v21;
	v19 =	vadd.f32 v19, v26;
	v21 =	vld [tilespmem:s22+$0x1140]  }
0x136: {  	[tilespmem:s22+$0xD60] =	vst v20;
	v18 =	vadd.f32 v18, v25;
	v20 =	vld [tilespmem:s22+$0x1150]  }
0x137: {  	[tilespmem:s22+$0xD70] =	vst v19;
	v19 =	vadd.f32 v17, v24;
	v24 =	vld [tilespmem:s22+$0x1160]  }
.Ltmp0:
0x138: {  	[tilespmem:s22+$0x1100] =	vst v18;
	v16 =	vadd.f32 v16, v23;
	v17 =	vld [tilespmem:s22+$0x1170];
	(pc) =	sbr.rel @p0 .LBB2_3-.Ltmp0, $4  }
0x139: {  	[tilespmem:s22+$0x1110] =	vst v19;
	v18 =	vadd.f32 v15, v22;
	v15 =	vld [tilespmem:s22+$0x1500]  }
0x13a: {  	[tilespmem:s22+$0x1120] =	vst v16;
	v19 =	vadd.f32 v14, v21;
	v14 =	vld [tilespmem:s22+$0x1510]  }
0x13b: {  	[tilespmem:s22+$0x1130] =	vst v18;
	v18 =	vadd.f32 v13, v20;
	v16 =	vld [tilespmem:s22+$0x1520]  }
0x13c: {  	s24 =	sadd.s32 $0x1, s24;
	[tilespmem:s22+$0x1140] =	vst v19;
	v13 =	vadd.f32 v12, v24;
	v12 =	vld [tilespmem:s22+$0x1530]  }
0x13d: {  	[tilespmem:s22+$0x1150] =	vst v18;
	v60 =	vld [tilespmem:s22+$0x1540];
	v11 =	vadd.f32 v11, v17  }
0x13e: {  	v61 =	vld [tilespmem:s22+$0x1550];
	[tilespmem:s22+$0x1160] =	vst v13;
	v10 =	vadd.f32 v10, v15  }
0x13f: {  	v62 =	vld [tilespmem:s22+$0x1560];
	[tilespmem:s22+$0x1170] =	vst v11;
	v9 =	vadd.f32 v9, v14  }
0x140: {  	v63 =	vld [tilespmem:s22+$0x1570];
	[tilespmem:s22+$0x1500] =	vst v10;
	v8 =	vadd.f32 v8, v16  }
0x141: {  	[tilespmem:s22+$0x1510] =	vst v9;
	v7 =	vadd.f32 v7, v12  }
0x142: {  	s3 =	sadd.s32 $0x1, s3;
	[tilespmem:s22+$0x1520] =	vst v8;
	v6 =	vadd.f32 v6, v60  }
0x143: {  	p0 =	sne.s32 s3, $0x4;
	v5 =	vadd.f32 v5, v61;
	[tilespmem:s22+$0x1530] =	vst v7  }
.Ltmp1:
0x144: {  	s21 =	sshrl.u32 s23, $0x3;
	v4 =	vadd.f32 v4, v62;
	[tilespmem:s22+$0x1540] =	vst v6;
	(pc) =	sbr.rel @p0 .LBB2_2-.Ltmp1, $4  }
0x145: {  	s21 =	smul.u32 $0x300, s21;
	v3 =	vadd.f32 v3, v63;
	[tilespmem:s22+$0x1550] =	vst v5  }
0x146: {  	s26 =	rddreg [dreg:$0x3];
	[tilespmem:s22+$0x1560] =	vst v4  }
0x147: {  	s21 =	sadd.s32 s26, s21;
	[tilespmem:s22+$0x1570] =	vst v3  }
0x148: {  	[hbm4b:s21+s5] =	stream.linear.scatter [tilespmem:s20], [sflag:$0x4], $0xC000, $0x38;
	[tilespmem:$0x18100] =	vst v63  }
0x149: {  	s21 =	simm.s32 $0x4  }
0x14a: {  	_ =	swait.ge [sflag:s21], $0xC000  }
0x14b: {  	s22 =	rddreg [dreg:$0xb]  }
0x14c: {  	s3 =	rddreg [dreg:$0xa];
	s22 =	sadd.s32 $0x1, s22  }
0x14d: {  	p0 =	sne.s32 s22, s3  }
.Ltmp2:
0x14e: {  	_ = 	snop;
	(pc) =	sbr.rel @p0 .LBB2_1-.Ltmp2, $3  }
0x14f: {  	_ =	sdelay $0x1  }
0x150: {  	[sflag:s21] =	ssyncset.done $0x0  }
0x151: {  	[sflag:s21] =	ssyncadd.s32 $0xFFFF4000  }
0x152: {  	_ =	sfence.sel $0x180000  }
0x153: {  	[bflag:$0x0] =	sbarrier.arrive $0xFFFF  }
0x154: {  	_ =	strace $0x90000047  }
0x155: {  	s0 =	stileid.u32;
	[bflag:$0x2] =	sbarrier.arrive $0xFFFF  }
0x156: {  	p0 =	sne.s32 s0, $0x0;
	s0 =	rddreg [dreg:$0x4]  }
0x157: {  	s0 =	sadd.s32 @!p0 $0x100000, s0  }
0x158: {  	[sflag:s0] =	ssyncadd.tile.s32 @!p0 $0x1;
	_ =	shalt  }
.Lfunc_end2:
_tile_overlayer_lowered:
.L_overlay_start_2:
0x159: {  	(tag) =	ssettag $0x2  }
0x15a: {  	s0 =	rddreg [dreg:$0x0];
	s2 =	stileid.u32  }
0x15b: {  	s1 =	rddreg [dreg:$0x1];
	p0 =	sne.s32 s2, $0x0  }
0x15c: {  	s3 =	rddreg [dreg:$0x2];
	[bflag:$0x3] =	sbarrier.arrive $0xFFFF;
	s2 =	simm.s32 @!p0 $0x1C05  }
0x15d: {  	[timem:s3], [sflag:s2] =	dma.local @!p0 [hbm:s0], s1  }
0x15e: {  	s0 =	simm.s32 @!p0 $0x5  }
0x15f: {  	_ =	swait.ge @!p0 [sflag:s0], s1  }
0x160: {  	s1 =	ssub.s32 @!p0 $0x0, s1;
	[sflag:s0] =	ssyncset.done @!p0 $0x0  }
0x161: {  	[sflag:s0] =	ssyncadd.s32 @!p0 s1  }
0x162: {  	[bflag:$0x3] =	sbarrier.arrive $0xFFFF  }
0x163: {  	_ =	shalt  }

</sc_bundles>
